<compile_context>
chip_gen: v7x
topology: tpu7x:2x2x1
jax: 0.10.2.dev20260603
libtpu: 0.0.44.dev20260713+nightly
codegen_flags: <defaults>
</compile_context>

<pallas_src>
import functools

import jax
import jax.numpy as jnp
from jax import lax
from jax.experimental import pallas as pl
from jax.experimental.pallas import tpu as pltpu
from jax.experimental.pallas import tpu_sc as plsc

R, N = 64, 8192
L = 16
NV = N // L
_INFO = plsc.get_sparse_core_info()
NC, NS = _INFO.num_cores, _INFO.num_subcores
NW = NC * NS
RPW = R // NW
B_MAX = 26
BUF = N + L
UNROLL = 8
CH = 2
NCH = N // CH

_mesh = plsc.VectorSubcoreMesh(core_axis_name="c", subcore_axis_name="s")


@functools.partial(
    pl.kernel,
    out_type=jax.ShapeDtypeStruct((R, N), jnp.float32),
    mesh=_mesh,
    compiler_params=pltpu.CompilerParams(needs_layout_passes=False),
    scratch_types=[
        pltpu.VMEM((RPW * N,), jnp.float32),
        pltpu.VMEM((RPW * BUF,), jnp.float32),
        pltpu.VMEM((RPW * N,), jnp.float32),
    ] + [pltpu.SemaphoreType.DMA] * (RPW * CH)
      + [pltpu.SemaphoreType.DMA] * (RPW * 2),
)
def _sparsemax_sc(x_hbm, out_hbm, x_v, buf_v, y_v, *sems):
    in_sems, out_sems = sems[:RPW * CH], sems[RPW * CH:]
    wid = lax.axis_index("s") * NC + lax.axis_index("c")
    base = wid * RPW
    in_copies = []
    for c in range(CH):
        for r in range(RPW):
            in_copies.append(pltpu.async_copy(
                x_hbm.at[base + r, pl.ds(c * NCH, NCH)],
                x_v.at[pl.ds(r * N + c * NCH, NCH)],
                in_sems[c * RPW + r]))

    def max_body(i, accs):
        b = i * (UNROLL * L)
        out = []
        for r in range(RPW):
            vs = [x_v[pl.ds(r * N + b + u * L, L)] for u in range(UNROLL)]
            while len(vs) > 1:
                vs = [jnp.maximum(vs[j], vs[j + 1]) for j in range(0, len(vs), 2)]
            out.append(jnp.maximum(accs[r], vs[0]))
        return tuple(out)

    accs = (jnp.full((L,), -jnp.inf, jnp.float32),) * RPW
    per_ch = NCH // (UNROLL * L)
    for c in range(CH):
        for r in range(RPW):
            in_copies[c * RPW + r].wait()
        accs = lax.fori_loop(c * per_ch, (c + 1) * per_ch, max_body, accs)
    m = [jnp.max(a) for a in accs]
    thr = [mm - 1.0 for mm in m]

    CUNROLL = 8

    def comp_body(i, offs):
        b = i * (CUNROLL * L)
        vals = [[x_v[pl.ds(r * N + b + u * L, L)] for u in range(CUNROLL)]
                for r in range(RPW)]
        msks = [[vals[r][u] > thr[r] for u in range(CUNROLL)]
                for r in range(RPW)]
        pcs = [[plsc.all_reduce_population_count(msks[r][u])[0]
                for u in range(CUNROLL)] for r in range(RPW)]
        offs = list(offs)
        for u in range(CUNROLL):
            for r in range(RPW):
                plsc.store_compressed(
                    buf_v.at[pl.ds(r * BUF + offs[r], L)], vals[r][u],
                    mask=msks[r][u])
                offs[r] = offs[r] + pcs[r][u]
        return tuple(offs)

    cnts = lax.fori_loop(0, NV // CUNROLL, comp_body, (jnp.int32(0),) * RPW)
    nv = [(c + (L - 1)) >> 4 for c in cnts]
    nvm = nv[0]
    for r in range(1, RPW):
        nvm = jnp.maximum(nvm, nv[r])
    lane = lax.iota(jnp.int32, L)

    cnt_f = [cnts[r].astype(jnp.float32) for r in range(RPW)]

    def bis_cond(carry):
        it, lo, hi = carry
        wide = (hi[0] - lo[0]) * cnt_f[0] > 0.005
        for r in range(1, RPW):
            wide = wide | ((hi[r] - lo[r]) * cnt_f[r] > 0.005)
        return wide & (it < B_MAX)

    def bis_body(carry):
        it, lo, hi = carry
        tau = [0.5 * (lo[r] + hi[r]) for r in range(RPW)]

        def g_body(i, accs):
            idx = lane + i * L
            out = []
            for r in range(RPW):
                v = buf_v[pl.ds(r * BUF + i * L, L)]
                rl = jnp.maximum(v - tau[r], 0.0)
                out.append(accs[r] + jnp.where(idx < cnts[r], rl, 0.0))
            return tuple(out)

        z = jnp.zeros((L,), jnp.float32)
        accs = lax.fori_loop(0, nvm, g_body, (z,) * RPW)
        ok = [(jnp.sum(accs[r]) - 1.0) >= 0.0 for r in range(RPW)]
        return (it + 1,
                tuple(jnp.where(ok[r], tau[r], lo[r]) for r in range(RPW)),
                tuple(jnp.where(ok[r], hi[r], tau[r]) for r in range(RPW)))

    _, lo, _ = lax.while_loop(bis_cond, bis_body,
                              (jnp.int32(0), tuple(thr), tuple(m)))

    def cs_body(i, carry):
        c, s = carry
        c, s = list(c), list(s)
        idx = lane + i * L
        for r in range(RPW):
            v = buf_v[pl.ds(r * BUF + i * L, L)]
            msk = (v > lo[r]) & (idx < cnts[r])
            c[r] = c[r] + jnp.where(msk, 1.0, 0.0)
            s[r] = s[r] + jnp.where(msk, v, 0.0)
        return tuple(c), tuple(s)

    z = jnp.zeros((L,), jnp.float32)
    c, s = lax.fori_loop(0, nvm, cs_body, ((z,) * RPW, (z,) * RPW))
    tau = [jnp.broadcast_to(jnp.sum(s[r]) - 1.0, (L,)) /
           jnp.broadcast_to(jnp.sum(c[r]), (L,)) for r in range(RPW)]

    def out_body(i, carry):
        b = i * (UNROLL * L)
        ys = [[jnp.maximum(x_v[pl.ds(r * N + b + u * L, L)] - tau[r], 0.0)
               for u in range(UNROLL)] for r in range(RPW)]
        for u in range(UNROLL):
            for r in range(RPW):
                y_v[pl.ds(r * N + b + u * L, L)] = ys[r][u]
        return carry

    N2 = N // 2
    out_copies = []
    for h in range(2):
        lax.fori_loop(h * (NV // UNROLL // 2), (h + 1) * (NV // UNROLL // 2),
                      out_body, 0)
        for r in range(RPW):
            out_copies.append(pltpu.async_copy(
                y_v.at[pl.ds(r * N + h * N2, N2)],
                out_hbm.at[base + r, pl.ds(h * N2, N2)],
                out_sems[h * RPW + r]))
    for cp in out_copies:
        cp.wait()


def kernel(input):
    return _sparsemax_sc(input)

# --- scband reference (transcript-rebuilt; emitter-appended) ---
"""Pipeline reference for scband-sparsemax-5188320493807 (READ-ONLY COPY).

The authoritative reference and input builder live on the scoring server;
editing this copy changes nothing except your own understanding.
"""

import jax, jax.numpy as jnp
import numpy as np


def setup_inputs(seed: int = 0) -> dict:
    key = jax.random.key(seed)
    x = jax.random.normal(key, (64, 8192), dtype=jnp.float32)
    return {"input": x}


def reference(input) -> jnp.ndarray:
    original_shape = input.shape
    x = input.reshape(-1, input.shape[-1])
    n = x.shape[1]
    # subtract row max for numerical stability
    x = x - jnp.max(x, axis=1, keepdims=True)
    # sort descending along dim 1
    zs = jnp.flip(jnp.sort(x, axis=1), axis=1)
    r = jnp.arange(1, n + 1, dtype=jnp.float32)[None, :]
    r = jnp.broadcast_to(r, zs.shape)
    bound = 1.0 + r * zs
    cumulative_sum_zs = jnp.cumsum(zs, axis=1)
    is_gt = (bound > cumulative_sum_zs).astype(x.dtype)
    k = jnp.max(is_gt * r, axis=1, keepdims=True)
    zs_sparse = is_gt * zs
    taus = (jnp.sum(zs_sparse, axis=1, keepdims=True) - 1.0) / k
    output = jnp.maximum(jnp.zeros_like(x), x - taus)
    return output.reshape(original_shape)

if __name__ == "__main__":
    import jax
    _d = setup_inputs()
    print(jax.jit(kernel)(*tuple(_d.values())))

</pallas_src>

<mosaic_0001>
#map = affine_map<(d0, d1) -> (0, 0)>
module attributes {stable_mosaic.version = 14 : i64} {
  func.func @_sparsemax_sc(%arg0: i32, %arg1: i32, %arg2: memref<64x8192xf32, #tpu.memory_space<hbm>>, %arg3: memref<64x8192xf32, #tpu.memory_space<hbm>>, %arg4: memref<16384xf32, #tpu.memory_space<vmem>>, %arg5: memref<16416xf32, #tpu.memory_space<vmem>>, %arg6: memref<16384xf32, #tpu.memory_space<vmem>>, %arg7: memref<!tpu.dma_semaphore, #tpu.memory_space<semaphore_mem>>, %arg8: memref<!tpu.dma_semaphore, #tpu.memory_space<semaphore_mem>>, %arg9: memref<!tpu.dma_semaphore, #tpu.memory_space<semaphore_mem>>, %arg10: memref<!tpu.dma_semaphore, #tpu.memory_space<semaphore_mem>>, %arg11: memref<!tpu.dma_semaphore, #tpu.memory_space<semaphore_mem>>, %arg12: memref<!tpu.dma_semaphore, #tpu.memory_space<semaphore_mem>>, %arg13: memref<!tpu.dma_semaphore, #tpu.memory_space<semaphore_mem>>, %arg14: memref<!tpu.dma_semaphore, #tpu.memory_space<semaphore_mem>>) attributes {dimension_semantics = [#tpu.dimension_semantics<core_parallel>, #tpu.dimension_semantics<subcore_parallel>], iteration_bounds = array<i64: 2, 16>, scalar_prefetch = 0 : i64, scratch_operands = 11 : i64, tpu.core_type = #tpu.core_type<sc_vector_subcore>, window_params = [{transform_indices = #map}, {transform_indices = #map}]} {
    %mul3A = arith.constant 2 : i32
    %mul3A_0 = arith.muli %arg1, %mul3A : i32
    %add3A = arith.addi %mul3A_0, %arg0 : i32
    %mul3A_1 = arith.constant 2 : i32
    %mul3A_2 = arith.muli %add3A, %mul3A_1 : i32
    %add3A_3 = arith.constant 0 : i32
    %add3A_4 = arith.addi %mul3A_2, %add3A_3 : i32
    %dma_start3A = arith.constant 0 : i32
    %dma_start3A_5 = tpu.memref_slice %arg4[%dma_start3A] : memref<16384xf32, #tpu.memory_space<vmem>> -> memref<4096xf32, #tpu.memory_space<vmem>>
    %dma_start3A_6 = arith.constant 0 : i32
    %dma_start3A_7 = tpu.memref_slice %arg2[%add3A_4, %dma_start3A_6] : memref<64x8192xf32, #tpu.memory_space<hbm>> -> memref<1x4096xf32, #tpu.memory_space<hbm>>
    %dma_start3A_8 = tpu.memref_squeeze %dma_start3A_7 : memref<1x4096xf32, #tpu.memory_space<hbm>> -> memref<4096xf32, #tpu.memory_space<hbm>>
    %dma_start3A_9 = arith.constant 0 : i32
    %dma_start3A_10 = tpu.memref_slice %arg4[%dma_start3A_9] : memref<16384xf32, #tpu.memory_space<vmem>> -> memref<4096xf32, #tpu.memory_space<vmem>>
    %dma_start3A_11 = arith.constant 0 : i32
    %dma_start3A_12 = tpu.memref_slice %arg2[%add3A_4, %dma_start3A_11] : memref<64x8192xf32, #tpu.memory_space<hbm>> -> memref<1x4096xf32, #tpu.memory_space<hbm>>
    %dma_start3A_13 = tpu.memref_squeeze %dma_start3A_12 : memref<1x4096xf32, #tpu.memory_space<hbm>> -> memref<4096xf32, #tpu.memory_space<hbm>>
    tpu.enqueue_dma source(%dma_start3A_13 : memref<4096xf32, #tpu.memory_space<hbm>>) target(%dma_start3A_10 : memref<4096xf32, #tpu.memory_space<vmem>>) target_semaphore(%arg7 : memref<!tpu.dma_semaphore, #tpu.memory_space<semaphore_mem>>)
    %add3A_14 = arith.constant 1 : i32
    %add3A_15 = arith.addi %mul3A_2, %add3A_14 : i32
    %dma_start3A_16 = arith.constant 8192 : i32
    %dma_start3A_17 = tpu.memref_slice %arg4[%dma_start3A_16] : memref<16384xf32, #tpu.memory_space<vmem>> -> memref<4096xf32, #tpu.memory_space<vmem>>
    %dma_start3A_18 = arith.constant 0 : i32
    %dma_start3A_19 = tpu.memref_slice %arg2[%add3A_15, %dma_start3A_18] : memref<64x8192xf32, #tpu.memory_space<hbm>> -> memref<1x4096xf32, #tpu.memory_space<hbm>>
    %dma_start3A_20 = tpu.memref_squeeze %dma_start3A_19 : memref<1x4096xf32, #tpu.memory_space<hbm>> -> memref<4096xf32, #tpu.memory_space<hbm>>
    %dma_start3A_21 = arith.constant 8192 : i32
    %dma_start3A_22 = tpu.memref_slice %arg4[%dma_start3A_21] : memref<16384xf32, #tpu.memory_space<vmem>> -> memref<4096xf32, #tpu.memory_space<vmem>>
    %dma_start3A_23 = arith.constant 0 : i32
    %dma_start3A_24 = tpu.memref_slice %arg2[%add3A_15, %dma_start3A_23] : memref<64x8192xf32, #tpu.memory_space<hbm>> -> memref<1x4096xf32, #tpu.memory_space<hbm>>
    %dma_start3A_25 = tpu.memref_squeeze %dma_start3A_24 : memref<1x4096xf32, #tpu.memory_space<hbm>> -> memref<4096xf32, #tpu.memory_space<hbm>>
    tpu.enqueue_dma source(%dma_start3A_25 : memref<4096xf32, #tpu.memory_space<hbm>>) target(%dma_start3A_22 : memref<4096xf32, #tpu.memory_space<vmem>>) target_semaphore(%arg8 : memref<!tpu.dma_semaphore, #tpu.memory_space<semaphore_mem>>)
    %add3A_26 = arith.constant 0 : i32
    %add3A_27 = arith.addi %mul3A_2, %add3A_26 : i32
    %dma_start3A_28 = arith.constant 4096 : i32
    %dma_start3A_29 = tpu.memref_slice %arg4[%dma_start3A_28] : memref<16384xf32, #tpu.memory_space<vmem>> -> memref<4096xf32, #tpu.memory_space<vmem>>
    %dma_start3A_30 = arith.constant 4096 : i32
    %dma_start3A_31 = tpu.memref_slice %arg2[%add3A_27, %dma_start3A_30] : memref<64x8192xf32, #tpu.memory_space<hbm>> -> memref<1x4096xf32, #tpu.memory_space<hbm>>
    %dma_start3A_32 = tpu.memref_squeeze %dma_start3A_31 : memref<1x4096xf32, #tpu.memory_space<hbm>> -> memref<4096xf32, #tpu.memory_space<hbm>>
    %dma_start3A_33 = arith.constant 4096 : i32
    %dma_start3A_34 = tpu.memref_slice %arg4[%dma_start3A_33] : memref<16384xf32, #tpu.memory_space<vmem>> -> memref<4096xf32, #tpu.memory_space<vmem>>
    %dma_start3A_35 = arith.constant 4096 : i32
    %dma_start3A_36 = tpu.memref_slice %arg2[%add3A_27, %dma_start3A_35] : memref<64x8192xf32, #tpu.memory_space<hbm>> -> memref<1x4096xf32, #tpu.memory_space<hbm>>
    %dma_start3A_37 = tpu.memref_squeeze %dma_start3A_36 : memref<1x4096xf32, #tpu.memory_space<hbm>> -> memref<4096xf32, #tpu.memory_space<hbm>>
    tpu.enqueue_dma source(%dma_start3A_37 : memref<4096xf32, #tpu.memory_space<hbm>>) target(%dma_start3A_34 : memref<4096xf32, #tpu.memory_space<vmem>>) target_semaphore(%arg9 : memref<!tpu.dma_semaphore, #tpu.memory_space<semaphore_mem>>)
    %add3A_38 = arith.constant 1 : i32
    %add3A_39 = arith.addi %mul3A_2, %add3A_38 : i32
    %dma_start3A_40 = arith.constant 12288 : i32
    %dma_start3A_41 = tpu.memref_slice %arg4[%dma_start3A_40] : memref<16384xf32, #tpu.memory_space<vmem>> -> memref<4096xf32, #tpu.memory_space<vmem>>
    %dma_start3A_42 = arith.constant 4096 : i32
    %dma_start3A_43 = tpu.memref_slice %arg2[%add3A_39, %dma_start3A_42] : memref<64x8192xf32, #tpu.memory_space<hbm>> -> memref<1x4096xf32, #tpu.memory_space<hbm>>
    %dma_start3A_44 = tpu.memref_squeeze %dma_start3A_43 : memref<1x4096xf32, #tpu.memory_space<hbm>> -> memref<4096xf32, #tpu.memory_space<hbm>>
    %dma_start3A_45 = arith.constant 12288 : i32
    %dma_start3A_46 = tpu.memref_slice %arg4[%dma_start3A_45] : memref<16384xf32, #tpu.memory_space<vmem>> -> memref<4096xf32, #tpu.memory_space<vmem>>
    %dma_start3A_47 = arith.constant 4096 : i32
    %dma_start3A_48 = tpu.memref_slice %arg2[%add3A_39, %dma_start3A_47] : memref<64x8192xf32, #tpu.memory_space<hbm>> -> memref<1x4096xf32, #tpu.memory_space<hbm>>
    %dma_start3A_49 = tpu.memref_squeeze %dma_start3A_48 : memref<1x4096xf32, #tpu.memory_space<hbm>> -> memref<4096xf32, #tpu.memory_space<hbm>>
    tpu.enqueue_dma source(%dma_start3A_49 : memref<4096xf32, #tpu.memory_space<hbm>>) target(%dma_start3A_46 : memref<4096xf32, #tpu.memory_space<vmem>>) target_semaphore(%arg10 : memref<!tpu.dma_semaphore, #tpu.memory_space<semaphore_mem>>)
    %broadcast_in_dim3A = arith.constant 0xFF800000 : f32
    %broadcast_in_dim3A_50 = vector.broadcast %broadcast_in_dim3A : f32 to vector<16xf32>
    %dma_wait3A = arith.constant 0 : i32
    %dma_wait3A_51 = tpu.memref_slice %arg4[%dma_wait3A] : memref<16384xf32, #tpu.memory_space<vmem>> -> memref<4096xf32, #tpu.memory_space<vmem>>
    %dma_wait3A_52 = arith.constant 0 : i32
    %dma_wait3A_53 = tpu.memref_slice %arg2[%add3A_4, %dma_wait3A_52] : memref<64x8192xf32, #tpu.memory_space<hbm>> -> memref<1x4096xf32, #tpu.memory_space<hbm>>
    %dma_wait3A_54 = tpu.memref_squeeze %dma_wait3A_53 : memref<1x4096xf32, #tpu.memory_space<hbm>> -> memref<4096xf32, #tpu.memory_space<hbm>>
    %dma_wait3A_55 = arith.constant 0 : i32
    %dma_wait3A_56 = tpu.memref_slice %arg4[%dma_wait3A_55] : memref<16384xf32, #tpu.memory_space<vmem>> -> memref<4096xf32, #tpu.memory_space<vmem>>
    %dma_wait3A_57 = arith.constant 0 : i32
    %dma_wait3A_58 = tpu.memref_slice %arg2[%add3A_4, %dma_wait3A_57] : memref<64x8192xf32, #tpu.memory_space<hbm>> -> memref<1x4096xf32, #tpu.memory_space<hbm>>
    %dma_wait3A_59 = tpu.memref_squeeze %dma_wait3A_58 : memref<1x4096xf32, #tpu.memory_space<hbm>> -> memref<4096xf32, #tpu.memory_space<hbm>>
    tpu.wait_dma2 semaphore(%arg7 : memref<!tpu.dma_semaphore, #tpu.memory_space<semaphore_mem>>) src(%dma_wait3A_59 : memref<4096xf32, #tpu.memory_space<hbm>>) dst(%dma_wait3A_56 : memref<4096xf32, #tpu.memory_space<vmem>>)
    %dma_wait3A_60 = arith.constant 8192 : i32
    %dma_wait3A_61 = tpu.memref_slice %arg4[%dma_wait3A_60] : memref<16384xf32, #tpu.memory_space<vmem>> -> memref<4096xf32, #tpu.memory_space<vmem>>
    %dma_wait3A_62 = arith.constant 0 : i32
    %dma_wait3A_63 = tpu.memref_slice %arg2[%add3A_15, %dma_wait3A_62] : memref<64x8192xf32, #tpu.memory_space<hbm>> -> memref<1x4096xf32, #tpu.memory_space<hbm>>
    %dma_wait3A_64 = tpu.memref_squeeze %dma_wait3A_63 : memref<1x4096xf32, #tpu.memory_space<hbm>> -> memref<4096xf32, #tpu.memory_space<hbm>>
    %dma_wait3A_65 = arith.constant 8192 : i32
    %dma_wait3A_66 = tpu.memref_slice %arg4[%dma_wait3A_65] : memref<16384xf32, #tpu.memory_space<vmem>> -> memref<4096xf32, #tpu.memory_space<vmem>>
    %dma_wait3A_67 = arith.constant 0 : i32
    %dma_wait3A_68 = tpu.memref_slice %arg2[%add3A_15, %dma_wait3A_67] : memref<64x8192xf32, #tpu.memory_space<hbm>> -> memref<1x4096xf32, #tpu.memory_space<hbm>>
    %dma_wait3A_69 = tpu.memref_squeeze %dma_wait3A_68 : memref<1x4096xf32, #tpu.memory_space<hbm>> -> memref<4096xf32, #tpu.memory_space<hbm>>
    tpu.wait_dma2 semaphore(%arg8 : memref<!tpu.dma_semaphore, #tpu.memory_space<semaphore_mem>>) src(%dma_wait3A_69 : memref<4096xf32, #tpu.memory_space<hbm>>) dst(%dma_wait3A_66 : memref<4096xf32, #tpu.memory_space<vmem>>)
    %scan3A = arith.constant 0 : i32
    %scan3A_70 = arith.constant 32 : i32
    %scan3A_71 = arith.addi %scan3A, %scan3A_70 : i32
    %scan3A_72 = arith.constant 1 : i32
    %scan3A_73:2 = scf.for %scan3A_265 = %scan3A to %scan3A_71 step %scan3A_72 iter_args(%scan3A_266 = %broadcast_in_dim3A_50, %scan3A_267 = %broadcast_in_dim3A_50) -> (vector<16xf32>, vector<16xf32>)  : i32 {
      %mul3A_268 = arith.constant 128 : i32
      %mul3A_269 = arith.muli %scan3A_265, %mul3A_268 : i32
      %add3A_270 = arith.constant 0 : i32
      %add3A_271 = arith.addi %add3A_270, %mul3A_269 : i32
      %add3A_272 = arith.constant 0 : i32
      %add3A_273 = arith.addi %add3A_271, %add3A_272 : i32
      %get3A = arith.index_cast %add3A_273 : i32 to index
      %get3A_274 = tpu.vector_load %arg4[%get3A] {strides = array<i32>} : memref<16384xf32, #tpu.memory_space<vmem>>, vector<16xf32>,
      %add3A_275 = arith.constant 0 : i32
      %add3A_276 = arith.addi %add3A_275, %mul3A_269 : i32
      %add3A_277 = arith.constant 16 : i32
      %add3A_278 = arith.addi %add3A_276, %add3A_277 : i32
      %get3A_279 = arith.index_cast %add3A_278 : i32 to index
      %get3A_280 = tpu.vector_load %arg4[%get3A_279] {strides = array<i32>} : memref<16384xf32, #tpu.memory_space<vmem>>, vector<16xf32>,
      %add3A_281 = arith.constant 0 : i32
      %add3A_282 = arith.addi %add3A_281, %mul3A_269 : i32
      %add3A_283 = arith.constant 32 : i32
      %add3A_284 = arith.addi %add3A_282, %add3A_283 : i32
      %get3A_285 = arith.index_cast %add3A_284 : i32 to index
      %get3A_286 = tpu.vector_load %arg4[%get3A_285] {strides = array<i32>} : memref<16384xf32, #tpu.memory_space<vmem>>, vector<16xf32>,
      %add3A_287 = arith.constant 0 : i32
      %add3A_288 = arith.addi %add3A_287, %mul3A_269 : i32
      %add3A_289 = arith.constant 48 : i32
      %add3A_290 = arith.addi %add3A_288, %add3A_289 : i32
      %get3A_291 = arith.index_cast %add3A_290 : i32 to index
      %get3A_292 = tpu.vector_load %arg4[%get3A_291] {strides = array<i32>} : memref<16384xf32, #tpu.memory_space<vmem>>, vector<16xf32>,
      %add3A_293 = arith.constant 0 : i32
      %add3A_294 = arith.addi %add3A_293, %mul3A_269 : i32
      %add3A_295 = arith.constant 64 : i32
      %add3A_296 = arith.addi %add3A_294, %add3A_295 : i32
      %get3A_297 = arith.index_cast %add3A_296 : i32 to index
      %get3A_298 = tpu.vector_load %arg4[%get3A_297] {strides = array<i32>} : memref<16384xf32, #tpu.memory_space<vmem>>, vector<16xf32>,
      %add3A_299 = arith.constant 0 : i32
      %add3A_300 = arith.addi %add3A_299, %mul3A_269 : i32
      %add3A_301 = arith.constant 80 : i32
      %add3A_302 = arith.addi %add3A_300, %add3A_301 : i32
      %get3A_303 = arith.index_cast %add3A_302 : i32 to index
      %get3A_304 = tpu.vector_load %arg4[%get3A_303] {strides = array<i32>} : memref<16384xf32, #tpu.memory_space<vmem>>, vector<16xf32>,
      %add3A_305 = arith.constant 0 : i32
      %add3A_306 = arith.addi %add3A_305, %mul3A_269 : i32
      %add3A_307 = arith.constant 96 : i32
      %add3A_308 = arith.addi %add3A_306, %add3A_307 : i32
      %get3A_309 = arith.index_cast %add3A_308 : i32 to index
      %get3A_310 = tpu.vector_load %arg4[%get3A_309] {strides = array<i32>} : memref<16384xf32, #tpu.memory_space<vmem>>, vector<16xf32>,
      %add3A_311 = arith.constant 0 : i32
      %add3A_312 = arith.addi %add3A_311, %mul3A_269 : i32
      %add3A_313 = arith.constant 112 : i32
      %add3A_314 = arith.addi %add3A_312, %add3A_313 : i32
      %get3A_315 = arith.index_cast %add3A_314 : i32 to index
      %get3A_316 = tpu.vector_load %arg4[%get3A_315] {strides = array<i32>} : memref<16384xf32, #tpu.memory_space<vmem>>, vector<16xf32>,
      %max3A_317 = arith.maximumf %get3A_274, %get3A_280 : vector<16xf32>
      %max3A_318 = arith.maximumf %get3A_286, %get3A_292 : vector<16xf32>
      %max3A_319 = arith.maximumf %get3A_298, %get3A_304 : vector<16xf32>
      %max3A_320 = arith.maximumf %get3A_310, %get3A_316 : vector<16xf32>
      %max3A_321 = arith.maximumf %max3A_317, %max3A_318 : vector<16xf32>
      %max3A_322 = arith.maximumf %max3A_319, %max3A_320 : vector<16xf32>
      %max3A_323 = arith.maximumf %max3A_321, %max3A_322 : vector<16xf32>
      %max3A_324 = arith.maximumf %scan3A_266, %max3A_323 : vector<16xf32>
      %add3A_325 = arith.constant 8192 : i32
      %add3A_326 = arith.addi %add3A_325, %mul3A_269 : i32
      %add3A_327 = arith.constant 0 : i32
      %add3A_328 = arith.addi %add3A_326, %add3A_327 : i32
      %get3A_329 = arith.index_cast %add3A_328 : i32 to index
      %get3A_330 = tpu.vector_load %arg4[%get3A_329] {strides = array<i32>} : memref<16384xf32, #tpu.memory_space<vmem>>, vector<16xf32>,
      %add3A_331 = arith.constant 8192 : i32
      %add3A_332 = arith.addi %add3A_331, %mul3A_269 : i32
      %add3A_333 = arith.constant 16 : i32
      %add3A_334 = arith.addi %add3A_332, %add3A_333 : i32
      %get3A_335 = arith.index_cast %add3A_334 : i32 to index
      %get3A_336 = tpu.vector_load %arg4[%get3A_335] {strides = array<i32>} : memref<16384xf32, #tpu.memory_space<vmem>>, vector<16xf32>,
      %add3A_337 = arith.constant 8192 : i32
      %add3A_338 = arith.addi %add3A_337, %mul3A_269 : i32
      %add3A_339 = arith.constant 32 : i32
      %add3A_340 = arith.addi %add3A_338, %add3A_339 : i32
      %get3A_341 = arith.index_cast %add3A_340 : i32 to index
      %get3A_342 = tpu.vector_load %arg4[%get3A_341] {strides = array<i32>} : memref<16384xf32, #tpu.memory_space<vmem>>, vector<16xf32>,
      %add3A_343 = arith.constant 8192 : i32
      %add3A_344 = arith.addi %add3A_343, %mul3A_269 : i32
      %add3A_345 = arith.constant 48 : i32
      %add3A_346 = arith.addi %add3A_344, %add3A_345 : i32
      %get3A_347 = arith.index_cast %add3A_346 : i32 to index
      %get3A_348 = tpu.vector_load %arg4[%get3A_347] {strides = array<i32>} : memref<16384xf32, #tpu.memory_space<vmem>>, vector<16xf32>,
      %add3A_349 = arith.constant 8192 : i32
      %add3A_350 = arith.addi %add3A_349, %mul3A_269 : i32
      %add3A_351 = arith.constant 64 : i32
      %add3A_352 = arith.addi %add3A_350, %add3A_351 : i32
      %get3A_353 = arith.index_cast %add3A_352 : i32 to index
      %get3A_354 = tpu.vector_load %arg4[%get3A_353] {strides = array<i32>} : memref<16384xf32, #tpu.memory_space<vmem>>, vector<16xf32>,
      %add3A_355 = arith.constant 8192 : i32
      %add3A_356 = arith.addi %add3A_355, %mul3A_269 : i32
      %add3A_357 = arith.constant 80 : i32
      %add3A_358 = arith.addi %add3A_356, %add3A_357 : i32
      %get3A_359 = arith.index_cast %add3A_358 : i32 to index
      %get3A_360 = tpu.vector_load %arg4[%get3A_359] {strides = array<i32>} : memref<16384xf32, #tpu.memory_space<vmem>>, vector<16xf32>,
      %add3A_361 = arith.constant 8192 : i32
      %add3A_362 = arith.addi %add3A_361, %mul3A_269 : i32
      %add3A_363 = arith.constant 96 : i32
      %add3A_364 = arith.addi %add3A_362, %add3A_363 : i32
      %get3A_365 = arith.index_cast %add3A_364 : i32 to index
      %get3A_366 = tpu.vector_load %arg4[%get3A_365] {strides = array<i32>} : memref<16384xf32, #tpu.memory_space<vmem>>, vector<16xf32>,
      %add3A_367 = arith.constant 8192 : i32
      %add3A_368 = arith.addi %add3A_367, %mul3A_269 : i32
      %add3A_369 = arith.constant 112 : i32
      %add3A_370 = arith.addi %add3A_368, %add3A_369 : i32
      %get3A_371 = arith.index_cast %add3A_370 : i32 to index
      %get3A_372 = tpu.vector_load %arg4[%get3A_371] {strides = array<i32>} : memref<16384xf32, #tpu.memory_space<vmem>>, vector<16xf32>,
      %max3A_373 = arith.maximumf %get3A_330, %get3A_336 : vector<16xf32>
      %max3A_374 = arith.maximumf %get3A_342, %get3A_348 : vector<16xf32>
      %max3A_375 = arith.maximumf %get3A_354, %get3A_360 : vector<16xf32>
      %max3A_376 = arith.maximumf %get3A_366, %get3A_372 : vector<16xf32>
      %max3A_377 = arith.maximumf %max3A_373, %max3A_374 : vector<16xf32>
      %max3A_378 = arith.maximumf %max3A_375, %max3A_376 : vector<16xf32>
      %max3A_379 = arith.maximumf %max3A_377, %max3A_378 : vector<16xf32>
      %max3A_380 = arith.maximumf %scan3A_267, %max3A_379 : vector<16xf32>
      scf.yield %max3A_324, %max3A_380 : vector<16xf32>, vector<16xf32>
    }
    %scan3A_74 = arith.constant 32 : i32
    %dma_wait3A_75 = arith.constant 4096 : i32
    %dma_wait3A_76 = tpu.memref_slice %arg4[%dma_wait3A_75] : memref<16384xf32, #tpu.memory_space<vmem>> -> memref<4096xf32, #tpu.memory_space<vmem>>
    %dma_wait3A_77 = arith.constant 4096 : i32
    %dma_wait3A_78 = tpu.memref_slice %arg2[%add3A_27, %dma_wait3A_77] : memref<64x8192xf32, #tpu.memory_space<hbm>> -> memref<1x4096xf32, #tpu.memory_space<hbm>>
    %dma_wait3A_79 = tpu.memref_squeeze %dma_wait3A_78 : memref<1x4096xf32, #tpu.memory_space<hbm>> -> memref<4096xf32, #tpu.memory_space<hbm>>
    %dma_wait3A_80 = arith.constant 4096 : i32
    %dma_wait3A_81 = tpu.memref_slice %arg4[%dma_wait3A_80] : memref<16384xf32, #tpu.memory_space<vmem>> -> memref<4096xf32, #tpu.memory_space<vmem>>
    %dma_wait3A_82 = arith.constant 4096 : i32
    %dma_wait3A_83 = tpu.memref_slice %arg2[%add3A_27, %dma_wait3A_82] : memref<64x8192xf32, #tpu.memory_space<hbm>> -> memref<1x4096xf32, #tpu.memory_space<hbm>>
    %dma_wait3A_84 = tpu.memref_squeeze %dma_wait3A_83 : memref<1x4096xf32, #tpu.memory_space<hbm>> -> memref<4096xf32, #tpu.memory_space<hbm>>
    tpu.wait_dma2 semaphore(%arg9 : memref<!tpu.dma_semaphore, #tpu.memory_space<semaphore_mem>>) src(%dma_wait3A_84 : memref<4096xf32, #tpu.memory_space<hbm>>) dst(%dma_wait3A_81 : memref<4096xf32, #tpu.memory_space<vmem>>)
    %dma_wait3A_85 = arith.constant 12288 : i32
    %dma_wait3A_86 = tpu.memref_slice %arg4[%dma_wait3A_85] : memref<16384xf32, #tpu.memory_space<vmem>> -> memref<4096xf32, #tpu.memory_space<vmem>>
    %dma_wait3A_87 = arith.constant 4096 : i32
    %dma_wait3A_88 = tpu.memref_slice %arg2[%add3A_39, %dma_wait3A_87] : memref<64x8192xf32, #tpu.memory_space<hbm>> -> memref<1x4096xf32, #tpu.memory_space<hbm>>
    %dma_wait3A_89 = tpu.memref_squeeze %dma_wait3A_88 : memref<1x4096xf32, #tpu.memory_space<hbm>> -> memref<4096xf32, #tpu.memory_space<hbm>>
    %dma_wait3A_90 = arith.constant 12288 : i32
    %dma_wait3A_91 = tpu.memref_slice %arg4[%dma_wait3A_90] : memref<16384xf32, #tpu.memory_space<vmem>> -> memref<4096xf32, #tpu.memory_space<vmem>>
    %dma_wait3A_92 = arith.constant 4096 : i32
    %dma_wait3A_93 = tpu.memref_slice %arg2[%add3A_39, %dma_wait3A_92] : memref<64x8192xf32, #tpu.memory_space<hbm>> -> memref<1x4096xf32, #tpu.memory_space<hbm>>
    %dma_wait3A_94 = tpu.memref_squeeze %dma_wait3A_93 : memref<1x4096xf32, #tpu.memory_space<hbm>> -> memref<4096xf32, #tpu.memory_space<hbm>>
    tpu.wait_dma2 semaphore(%arg10 : memref<!tpu.dma_semaphore, #tpu.memory_space<semaphore_mem>>) src(%dma_wait3A_94 : memref<4096xf32, #tpu.memory_space<hbm>>) dst(%dma_wait3A_91 : memref<4096xf32, #tpu.memory_space<vmem>>)
    %scan3A_95 = arith.constant 32 : i32
    %scan3A_96 = arith.constant 32 : i32
    %scan3A_97 = arith.addi %scan3A_95, %scan3A_96 : i32
    %scan3A_98 = arith.constant 1 : i32
    %scan3A_99:2 = scf.for %scan3A_265 = %scan3A_95 to %scan3A_97 step %scan3A_98 iter_args(%scan3A_266 = %scan3A_73#0, %scan3A_267 = %scan3A_73#1) -> (vector<16xf32>, vector<16xf32>)  : i32 {
      %mul3A_268 = arith.constant 128 : i32
      %mul3A_269 = arith.muli %scan3A_265, %mul3A_268 : i32
      %add3A_270 = arith.constant 0 : i32
      %add3A_271 = arith.addi %add3A_270, %mul3A_269 : i32
      %add3A_272 = arith.constant 0 : i32
      %add3A_273 = arith.addi %add3A_271, %add3A_272 : i32
      %get3A = arith.index_cast %add3A_273 : i32 to index
      %get3A_274 = tpu.vector_load %arg4[%get3A] {strides = array<i32>} : memref<16384xf32, #tpu.memory_space<vmem>>, vector<16xf32>,
      %add3A_275 = arith.constant 0 : i32
      %add3A_276 = arith.addi %add3A_275, %mul3A_269 : i32
      %add3A_277 = arith.constant 16 : i32
      %add3A_278 = arith.addi %add3A_276, %add3A_277 : i32
      %get3A_279 = arith.index_cast %add3A_278 : i32 to index
      %get3A_280 = tpu.vector_load %arg4[%get3A_279] {strides = array<i32>} : memref<16384xf32, #tpu.memory_space<vmem>>, vector<16xf32>,
      %add3A_281 = arith.constant 0 : i32
      %add3A_282 = arith.addi %add3A_281, %mul3A_269 : i32
      %add3A_283 = arith.constant 32 : i32
      %add3A_284 = arith.addi %add3A_282, %add3A_283 : i32
      %get3A_285 = arith.index_cast %add3A_284 : i32 to index
      %get3A_286 = tpu.vector_load %arg4[%get3A_285] {strides = array<i32>} : memref<16384xf32, #tpu.memory_space<vmem>>, vector<16xf32>,
      %add3A_287 = arith.constant 0 : i32
      %add3A_288 = arith.addi %add3A_287, %mul3A_269 : i32
      %add3A_289 = arith.constant 48 : i32
      %add3A_290 = arith.addi %add3A_288, %add3A_289 : i32
      %get3A_291 = arith.index_cast %add3A_290 : i32 to index
      %get3A_292 = tpu.vector_load %arg4[%get3A_291] {strides = array<i32>} : memref<16384xf32, #tpu.memory_space<vmem>>, vector<16xf32>,
      %add3A_293 = arith.constant 0 : i32
      %add3A_294 = arith.addi %add3A_293, %mul3A_269 : i32
      %add3A_295 = arith.constant 64 : i32
      %add3A_296 = arith.addi %add3A_294, %add3A_295 : i32
      %get3A_297 = arith.index_cast %add3A_296 : i32 to index
      %get3A_298 = tpu.vector_load %arg4[%get3A_297] {strides = array<i32>} : memref<16384xf32, #tpu.memory_space<vmem>>, vector<16xf32>,
      %add3A_299 = arith.constant 0 : i32
      %add3A_300 = arith.addi %add3A_299, %mul3A_269 : i32
      %add3A_301 = arith.constant 80 : i32
      %add3A_302 = arith.addi %add3A_300, %add3A_301 : i32
      %get3A_303 = arith.index_cast %add3A_302 : i32 to index
      %get3A_304 = tpu.vector_load %arg4[%get3A_303] {strides = array<i32>} : memref<16384xf32, #tpu.memory_space<vmem>>, vector<16xf32>,
      %add3A_305 = arith.constant 0 : i32
      %add3A_306 = arith.addi %add3A_305, %mul3A_269 : i32
      %add3A_307 = arith.constant 96 : i32
      %add3A_308 = arith.addi %add3A_306, %add3A_307 : i32
      %get3A_309 = arith.index_cast %add3A_308 : i32 to index
      %get3A_310 = tpu.vector_load %arg4[%get3A_309] {strides = array<i32>} : memref<16384xf32, #tpu.memory_space<vmem>>, vector<16xf32>,
      %add3A_311 = arith.constant 0 : i32
      %add3A_312 = arith.addi %add3A_311, %mul3A_269 : i32
      %add3A_313 = arith.constant 112 : i32
      %add3A_314 = arith.addi %add3A_312, %add3A_313 : i32
      %get3A_315 = arith.index_cast %add3A_314 : i32 to index
      %get3A_316 = tpu.vector_load %arg4[%get3A_315] {strides = array<i32>} : memref<16384xf32, #tpu.memory_space<vmem>>, vector<16xf32>,
      %max3A_317 = arith.maximumf %get3A_274, %get3A_280 : vector<16xf32>
      %max3A_318 = arith.maximumf %get3A_286, %get3A_292 : vector<16xf32>
      %max3A_319 = arith.maximumf %get3A_298, %get3A_304 : vector<16xf32>
      %max3A_320 = arith.maximumf %get3A_310, %get3A_316 : vector<16xf32>
      %max3A_321 = arith.maximumf %max3A_317, %max3A_318 : vector<16xf32>
      %max3A_322 = arith.maximumf %max3A_319, %max3A_320 : vector<16xf32>
      %max3A_323 = arith.maximumf %max3A_321, %max3A_322 : vector<16xf32>
      %max3A_324 = arith.maximumf %scan3A_266, %max3A_323 : vector<16xf32>
      %add3A_325 = arith.constant 8192 : i32
      %add3A_326 = arith.addi %add3A_325, %mul3A_269 : i32
      %add3A_327 = arith.constant 0 : i32
      %add3A_328 = arith.addi %add3A_326, %add3A_327 : i32
      %get3A_329 = arith.index_cast %add3A_328 : i32 to index
      %get3A_330 = tpu.vector_load %arg4[%get3A_329] {strides = array<i32>} : memref<16384xf32, #tpu.memory_space<vmem>>, vector<16xf32>,
      %add3A_331 = arith.constant 8192 : i32
      %add3A_332 = arith.addi %add3A_331, %mul3A_269 : i32
      %add3A_333 = arith.constant 16 : i32
      %add3A_334 = arith.addi %add3A_332, %add3A_333 : i32
      %get3A_335 = arith.index_cast %add3A_334 : i32 to index
      %get3A_336 = tpu.vector_load %arg4[%get3A_335] {strides = array<i32>} : memref<16384xf32, #tpu.memory_space<vmem>>, vector<16xf32>,
      %add3A_337 = arith.constant 8192 : i32
      %add3A_338 = arith.addi %add3A_337, %mul3A_269 : i32
      %add3A_339 = arith.constant 32 : i32
      %add3A_340 = arith.addi %add3A_338, %add3A_339 : i32
      %get3A_341 = arith.index_cast %add3A_340 : i32 to index
      %get3A_342 = tpu.vector_load %arg4[%get3A_341] {strides = array<i32>} : memref<16384xf32, #tpu.memory_space<vmem>>, vector<16xf32>,
      %add3A_343 = arith.constant 8192 : i32
      %add3A_344 = arith.addi %add3A_343, %mul3A_269 : i32
      %add3A_345 = arith.constant 48 : i32
      %add3A_346 = arith.addi %add3A_344, %add3A_345 : i32
      %get3A_347 = arith.index_cast %add3A_346 : i32 to index
      %get3A_348 = tpu.vector_load %arg4[%get3A_347] {strides = array<i32>} : memref<16384xf32, #tpu.memory_space<vmem>>, vector<16xf32>,
      %add3A_349 = arith.constant 8192 : i32
      %add3A_350 = arith.addi %add3A_349, %mul3A_269 : i32
      %add3A_351 = arith.constant 64 : i32
      %add3A_352 = arith.addi %add3A_350, %add3A_351 : i32
      %get3A_353 = arith.index_cast %add3A_352 : i32 to index
      %get3A_354 = tpu.vector_load %arg4[%get3A_353] {strides = array<i32>} : memref<16384xf32, #tpu.memory_space<vmem>>, vector<16xf32>,
      %add3A_355 = arith.constant 8192 : i32
      %add3A_356 = arith.addi %add3A_355, %mul3A_269 : i32
      %add3A_357 = arith.constant 80 : i32
      %add3A_358 = arith.addi %add3A_356, %add3A_357 : i32
      %get3A_359 = arith.index_cast %add3A_358 : i32 to index
      %get3A_360 = tpu.vector_load %arg4[%get3A_359] {strides = array<i32>} : memref<16384xf32, #tpu.memory_space<vmem>>, vector<16xf32>,
      %add3A_361 = arith.constant 8192 : i32
      %add3A_362 = arith.addi %add3A_361, %mul3A_269 : i32
      %add3A_363 = arith.constant 96 : i32
      %add3A_364 = arith.addi %add3A_362, %add3A_363 : i32
      %get3A_365 = arith.index_cast %add3A_364 : i32 to index
      %get3A_366 = tpu.vector_load %arg4[%get3A_365] {strides = array<i32>} : memref<16384xf32, #tpu.memory_space<vmem>>, vector<16xf32>,
      %add3A_367 = arith.constant 8192 : i32
      %add3A_368 = arith.addi %add3A_367, %mul3A_269 : i32
      %add3A_369 = arith.constant 112 : i32
      %add3A_370 = arith.addi %add3A_368, %add3A_369 : i32
      %get3A_371 = arith.index_cast %add3A_370 : i32 to index
      %get3A_372 = tpu.vector_load %arg4[%get3A_371] {strides = array<i32>} : memref<16384xf32, #tpu.memory_space<vmem>>, vector<16xf32>,
      %max3A_373 = arith.maximumf %get3A_330, %get3A_336 : vector<16xf32>
      %max3A_374 = arith.maximumf %get3A_342, %get3A_348 : vector<16xf32>
      %max3A_375 = arith.maximumf %get3A_354, %get3A_360 : vector<16xf32>
      %max3A_376 = arith.maximumf %get3A_366, %get3A_372 : vector<16xf32>
      %max3A_377 = arith.maximumf %max3A_373, %max3A_374 : vector<16xf32>
      %max3A_378 = arith.maximumf %max3A_375, %max3A_376 : vector<16xf32>
      %max3A_379 = arith.maximumf %max3A_377, %max3A_378 : vector<16xf32>
      %max3A_380 = arith.maximumf %scan3A_267, %max3A_379 : vector<16xf32>
      scf.yield %max3A_324, %max3A_380 : vector<16xf32>, vector<16xf32>
    }
    %scan3A_100 = arith.constant 32 : i32
    %reduce_max3A = arith.constant true
    %reduce_max3A_101 = vector.broadcast %reduce_max3A : i1 to vector<16xi1>
    %reduce_max3A_102 = tpu.scan <max>, %scan3A_99#0 masked %reduce_max3A_101 : vector<16xf32>, vector<16xi1> -> vector<16xf32>
    %reduce_max3A_103 = vector.extract %reduce_max3A_102[15] : f32 from vector<16xf32>
    %reduce_max3A_104 = arith.constant true
    %reduce_max3A_105 = vector.broadcast %reduce_max3A_104 : i1 to vector<16xi1>
    %reduce_max3A_106 = tpu.scan <max>, %scan3A_99#1 masked %reduce_max3A_105 : vector<16xf32>, vector<16xi1> -> vector<16xf32>
    %reduce_max3A_107 = vector.extract %reduce_max3A_106[15] : f32 from vector<16xf32>
    %sub3A = arith.constant 1.000000e+00 : f32
    %sub3A_108 = arith.subf %reduce_max3A_103, %sub3A : f32
    %sub3A_109 = arith.constant 1.000000e+00 : f32
    %sub3A_110 = arith.subf %reduce_max3A_107, %sub3A_109 : f32
    %scan3A_111 = arith.constant 0 : i32
    %scan3A_112 = arith.constant 0 : i32
    %scan3A_113 = arith.constant 0 : i32
    %scan3A_114 = arith.constant 64 : i32
    %scan3A_115 = arith.addi %scan3A_113, %scan3A_114 : i32
    %scan3A_116 = arith.constant 1 : i32
    %scan3A_117:2 = scf.for %scan3A_265 = %scan3A_113 to %scan3A_115 step %scan3A_116 iter_args(%scan3A_266 = %scan3A_111, %scan3A_267 = %scan3A_112) -> (i32, i32)  : i32 {
      %mul3A_268 = arith.constant 128 : i32
      %mul3A_269 = arith.muli %scan3A_265, %mul3A_268 : i32
      %add3A_270 = arith.constant 0 : i32
      %add3A_271 = arith.addi %add3A_270, %mul3A_269 : i32
      %add3A_272 = arith.constant 0 : i32
      %add3A_273 = arith.addi %add3A_271, %add3A_272 : i32
      %get3A = arith.index_cast %add3A_273 : i32 to index
      %get3A_274 = tpu.vector_load %arg4[%get3A] {strides = array<i32>} : memref<16384xf32, #tpu.memory_space<vmem>>, vector<16xf32>,
      %add3A_275 = arith.constant 0 : i32
      %add3A_276 = arith.addi %add3A_275, %mul3A_269 : i32
      %add3A_277 = arith.constant 16 : i32
      %add3A_278 = arith.addi %add3A_276, %add3A_277 : i32
      %get3A_279 = arith.index_cast %add3A_278 : i32 to index
      %get3A_280 = tpu.vector_load %arg4[%get3A_279] {strides = array<i32>} : memref<16384xf32, #tpu.memory_space<vmem>>, vector<16xf32>,
      %add3A_281 = arith.constant 0 : i32
      %add3A_282 = arith.addi %add3A_281, %mul3A_269 : i32
      %add3A_283 = arith.constant 32 : i32
      %add3A_284 = arith.addi %add3A_282, %add3A_283 : i32
      %get3A_285 = arith.index_cast %add3A_284 : i32 to index
      %get3A_286 = tpu.vector_load %arg4[%get3A_285] {strides = array<i32>} : memref<16384xf32, #tpu.memory_space<vmem>>, vector<16xf32>,
      %add3A_287 = arith.constant 0 : i32
      %add3A_288 = arith.addi %add3A_287, %mul3A_269 : i32
      %add3A_289 = arith.constant 48 : i32
      %add3A_290 = arith.addi %add3A_288, %add3A_289 : i32
      %get3A_291 = arith.index_cast %add3A_290 : i32 to index
      %get3A_292 = tpu.vector_load %arg4[%get3A_291] {strides = array<i32>} : memref<16384xf32, #tpu.memory_space<vmem>>, vector<16xf32>,
      %add3A_293 = arith.constant 0 : i32
      %add3A_294 = arith.addi %add3A_293, %mul3A_269 : i32
      %add3A_295 = arith.constant 64 : i32
      %add3A_296 = arith.addi %add3A_294, %add3A_295 : i32
      %get3A_297 = arith.index_cast %add3A_296 : i32 to index
      %get3A_298 = tpu.vector_load %arg4[%get3A_297] {strides = array<i32>} : memref<16384xf32, #tpu.memory_space<vmem>>, vector<16xf32>,
      %add3A_299 = arith.constant 0 : i32
      %add3A_300 = arith.addi %add3A_299, %mul3A_269 : i32
      %add3A_301 = arith.constant 80 : i32
      %add3A_302 = arith.addi %add3A_300, %add3A_301 : i32
      %get3A_303 = arith.index_cast %add3A_302 : i32 to index
      %get3A_304 = tpu.vector_load %arg4[%get3A_303] {strides = array<i32>} : memref<16384xf32, #tpu.memory_space<vmem>>, vector<16xf32>,
      %add3A_305 = arith.constant 0 : i32
      %add3A_306 = arith.addi %add3A_305, %mul3A_269 : i32
      %add3A_307 = arith.constant 96 : i32
      %add3A_308 = arith.addi %add3A_306, %add3A_307 : i32
      %get3A_309 = arith.index_cast %add3A_308 : i32 to index
      %get3A_310 = tpu.vector_load %arg4[%get3A_309] {strides = array<i32>} : memref<16384xf32, #tpu.memory_space<vmem>>, vector<16xf32>,
      %add3A_311 = arith.constant 0 : i32
      %add3A_312 = arith.addi %add3A_311, %mul3A_269 : i32
      %add3A_313 = arith.constant 112 : i32
      %add3A_314 = arith.addi %add3A_312, %add3A_313 : i32
      %get3A_315 = arith.index_cast %add3A_314 : i32 to index
      %get3A_316 = tpu.vector_load %arg4[%get3A_315] {strides = array<i32>} : memref<16384xf32, #tpu.memory_space<vmem>>, vector<16xf32>,
      %add3A_317 = arith.constant 8192 : i32
      %add3A_318 = arith.addi %add3A_317, %mul3A_269 : i32
      %add3A_319 = arith.constant 0 : i32
      %add3A_320 = arith.addi %add3A_318, %add3A_319 : i32
      %get3A_321 = arith.index_cast %add3A_320 : i32 to index
      %get3A_322 = tpu.vector_load %arg4[%get3A_321] {strides = array<i32>} : memref<16384xf32, #tpu.memory_space<vmem>>, vector<16xf32>,
      %add3A_323 = arith.constant 8192 : i32
      %add3A_324 = arith.addi %add3A_323, %mul3A_269 : i32
      %add3A_325 = arith.constant 16 : i32
      %add3A_326 = arith.addi %add3A_324, %add3A_325 : i32
      %get3A_327 = arith.index_cast %add3A_326 : i32 to index
      %get3A_328 = tpu.vector_load %arg4[%get3A_327] {strides = array<i32>} : memref<16384xf32, #tpu.memory_space<vmem>>, vector<16xf32>,
      %add3A_329 = arith.constant 8192 : i32
      %add3A_330 = arith.addi %add3A_329, %mul3A_269 : i32
      %add3A_331 = arith.constant 32 : i32
      %add3A_332 = arith.addi %add3A_330, %add3A_331 : i32
      %get3A_333 = arith.index_cast %add3A_332 : i32 to index
      %get3A_334 = tpu.vector_load %arg4[%get3A_333] {strides = array<i32>} : memref<16384xf32, #tpu.memory_space<vmem>>, vector<16xf32>,
      %add3A_335 = arith.constant 8192 : i32
      %add3A_336 = arith.addi %add3A_335, %mul3A_269 : i32
      %add3A_337 = arith.constant 48 : i32
      %add3A_338 = arith.addi %add3A_336, %add3A_337 : i32
      %get3A_339 = arith.index_cast %add3A_338 : i32 to index
      %get3A_340 = tpu.vector_load %arg4[%get3A_339] {strides = array<i32>} : memref<16384xf32, #tpu.memory_space<vmem>>, vector<16xf32>,
      %add3A_341 = arith.constant 8192 : i32
      %add3A_342 = arith.addi %add3A_341, %mul3A_269 : i32
      %add3A_343 = arith.constant 64 : i32
      %add3A_344 = arith.addi %add3A_342, %add3A_343 : i32
      %get3A_345 = arith.index_cast %add3A_344 : i32 to index
      %get3A_346 = tpu.vector_load %arg4[%get3A_345] {strides = array<i32>} : memref<16384xf32, #tpu.memory_space<vmem>>, vector<16xf32>,
      %add3A_347 = arith.constant 8192 : i32
      %add3A_348 = arith.addi %add3A_347, %mul3A_269 : i32
      %add3A_349 = arith.constant 80 : i32
      %add3A_350 = arith.addi %add3A_348, %add3A_349 : i32
      %get3A_351 = arith.index_cast %add3A_350 : i32 to index
      %get3A_352 = tpu.vector_load %arg4[%get3A_351] {strides = array<i32>} : memref<16384xf32, #tpu.memory_space<vmem>>, vector<16xf32>,
      %add3A_353 = arith.constant 8192 : i32
      %add3A_354 = arith.addi %add3A_353, %mul3A_269 : i32
      %add3A_355 = arith.constant 96 : i32
      %add3A_356 = arith.addi %add3A_354, %add3A_355 : i32
      %get3A_357 = arith.index_cast %add3A_356 : i32 to index
      %get3A_358 = tpu.vector_load %arg4[%get3A_357] {strides = array<i32>} : memref<16384xf32, #tpu.memory_space<vmem>>, vector<16xf32>,
      %add3A_359 = arith.constant 8192 : i32
      %add3A_360 = arith.addi %add3A_359, %mul3A_269 : i32
      %add3A_361 = arith.constant 112 : i32
      %add3A_362 = arith.addi %add3A_360, %add3A_361 : i32
      %get3A_363 = arith.index_cast %add3A_362 : i32 to index
      %get3A_364 = tpu.vector_load %arg4[%get3A_363] {strides = array<i32>} : memref<16384xf32, #tpu.memory_space<vmem>>, vector<16xf32>,
      %gt3A = vector.broadcast %sub3A_108 : f32 to vector<16xf32>
      %gt3A_365 = arith.cmpf ogt, %get3A_274, %gt3A : vector<16xf32>
      %gt3A_366 = vector.broadcast %sub3A_108 : f32 to vector<16xf32>
      %gt3A_367 = arith.cmpf ogt, %get3A_280, %gt3A_366 : vector<16xf32>
      %gt3A_368 = vector.broadcast %sub3A_108 : f32 to vector<16xf32>
      %gt3A_369 = arith.cmpf ogt, %get3A_286, %gt3A_368 : vector<16xf32>
      %gt3A_370 = vector.broadcast %sub3A_108 : f32 to vector<16xf32>
      %gt3A_371 = arith.cmpf ogt, %get3A_292, %gt3A_370 : vector<16xf32>
      %gt3A_372 = vector.broadcast %sub3A_108 : f32 to vector<16xf32>
      %gt3A_373 = arith.cmpf ogt, %get3A_298, %gt3A_372 : vector<16xf32>
      %gt3A_374 = vector.broadcast %sub3A_108 : f32 to vector<16xf32>
      %gt3A_375 = arith.cmpf ogt, %get3A_304, %gt3A_374 : vector<16xf32>
      %gt3A_376 = vector.broadcast %sub3A_108 : f32 to vector<16xf32>
      %gt3A_377 = arith.cmpf ogt, %get3A_310, %gt3A_376 : vector<16xf32>
      %gt3A_378 = vector.broadcast %sub3A_108 : f32 to vector<16xf32>
      %gt3A_379 = arith.cmpf ogt, %get3A_316, %gt3A_378 : vector<16xf32>
      %gt3A_380 = vector.broadcast %sub3A_110 : f32 to vector<16xf32>
      %gt3A_381 = arith.cmpf ogt, %get3A_322, %gt3A_380 : vector<16xf32>
      %gt3A_382 = vector.broadcast %sub3A_110 : f32 to vector<16xf32>
      %gt3A_383 = arith.cmpf ogt, %get3A_328, %gt3A_382 : vector<16xf32>
      %gt3A_384 = vector.broadcast %sub3A_110 : f32 to vector<16xf32>
      %gt3A_385 = arith.cmpf ogt, %get3A_334, %gt3A_384 : vector<16xf32>
      %gt3A_386 = vector.broadcast %sub3A_110 : f32 to vector<16xf32>
      %gt3A_387 = arith.cmpf ogt, %get3A_340, %gt3A_386 : vector<16xf32>
      %gt3A_388 = vector.broadcast %sub3A_110 : f32 to vector<16xf32>
      %gt3A_389 = arith.cmpf ogt, %get3A_346, %gt3A_388 : vector<16xf32>
      %gt3A_390 = vector.broadcast %sub3A_110 : f32 to vector<16xf32>
      %gt3A_391 = arith.cmpf ogt, %get3A_352, %gt3A_390 : vector<16xf32>
      %gt3A_392 = vector.broadcast %sub3A_110 : f32 to vector<16xf32>
      %gt3A_393 = arith.cmpf ogt, %get3A_358, %gt3A_392 : vector<16xf32>
      %gt3A_394 = vector.broadcast %sub3A_110 : f32 to vector<16xf32>
      %gt3A_395 = arith.cmpf ogt, %get3A_364, %gt3A_394 : vector<16xf32>
      %all_reduce_population_count3A = tpu.all_reduce %gt3A_365 {dim = 0 : i64, kind = #tpu.reduction_kind<sum>} : vector<16xi1> -> vector<16xi32>
      %slice3A = vector.extract_strided_slice %all_reduce_population_count3A {offsets = [0], sizes = [1], strides = [1]} : vector<16xi32> to vector<1xi32>
      %squeeze3A = vector.extract %slice3A[0] : i32 from vector<1xi32>
      %all_reduce_population_count3A_396 = tpu.all_reduce %gt3A_367 {dim = 0 : i64, kind = #tpu.reduction_kind<sum>} : vector<16xi1> -> vector<16xi32>
      %slice3A_397 = vector.extract_strided_slice %all_reduce_population_count3A_396 {offsets = [0], sizes = [1], strides = [1]} : vector<16xi32> to vector<1xi32>
      %squeeze3A_398 = vector.extract %slice3A_397[0] : i32 from vector<1xi32>
      %all_reduce_population_count3A_399 = tpu.all_reduce %gt3A_369 {dim = 0 : i64, kind = #tpu.reduction_kind<sum>} : vector<16xi1> -> vector<16xi32>
      %slice3A_400 = vector.extract_strided_slice %all_reduce_population_count3A_399 {offsets = [0], sizes = [1], strides = [1]} : vector<16xi32> to vector<1xi32>
      %squeeze3A_401 = vector.extract %slice3A_400[0] : i32 from vector<1xi32>
      %all_reduce_population_count3A_402 = tpu.all_reduce %gt3A_371 {dim = 0 : i64, kind = #tpu.reduction_kind<sum>} : vector<16xi1> -> vector<16xi32>
      %slice3A_403 = vector.extract_strided_slice %all_reduce_population_count3A_402 {offsets = [0], sizes = [1], strides = [1]} : vector<16xi32> to vector<1xi32>
      %squeeze3A_404 = vector.extract %slice3A_403[0] : i32 from vector<1xi32>
      %all_reduce_population_count3A_405 = tpu.all_reduce %gt3A_373 {dim = 0 : i64, kind = #tpu.reduction_kind<sum>} : vector<16xi1> -> vector<16xi32>
      %slice3A_406 = vector.extract_strided_slice %all_reduce_population_count3A_405 {offsets = [0], sizes = [1], strides = [1]} : vector<16xi32> to vector<1xi32>
      %squeeze3A_407 = vector.extract %slice3A_406[0] : i32 from vector<1xi32>
      %all_reduce_population_count3A_408 = tpu.all_reduce %gt3A_375 {dim = 0 : i64, kind = #tpu.reduction_kind<sum>} : vector<16xi1> -> vector<16xi32>
      %slice3A_409 = vector.extract_strided_slice %all_reduce_population_count3A_408 {offsets = [0], sizes = [1], strides = [1]} : vector<16xi32> to vector<1xi32>
      %squeeze3A_410 = vector.extract %slice3A_409[0] : i32 from vector<1xi32>
      %all_reduce_population_count3A_411 = tpu.all_reduce %gt3A_377 {dim = 0 : i64, kind = #tpu.reduction_kind<sum>} : vector<16xi1> -> vector<16xi32>
      %slice3A_412 = vector.extract_strided_slice %all_reduce_population_count3A_411 {offsets = [0], sizes = [1], strides = [1]} : vector<16xi32> to vector<1xi32>
      %squeeze3A_413 = vector.extract %slice3A_412[0] : i32 from vector<1xi32>
      %all_reduce_population_count3A_414 = tpu.all_reduce %gt3A_379 {dim = 0 : i64, kind = #tpu.reduction_kind<sum>} : vector<16xi1> -> vector<16xi32>
      %slice3A_415 = vector.extract_strided_slice %all_reduce_population_count3A_414 {offsets = [0], sizes = [1], strides = [1]} : vector<16xi32> to vector<1xi32>
      %squeeze3A_416 = vector.extract %slice3A_415[0] : i32 from vector<1xi32>
      %all_reduce_population_count3A_417 = tpu.all_reduce %gt3A_381 {dim = 0 : i64, kind = #tpu.reduction_kind<sum>} : vector<16xi1> -> vector<16xi32>
      %slice3A_418 = vector.extract_strided_slice %all_reduce_population_count3A_417 {offsets = [0], sizes = [1], strides = [1]} : vector<16xi32> to vector<1xi32>
      %squeeze3A_419 = vector.extract %slice3A_418[0] : i32 from vector<1xi32>
      %all_reduce_population_count3A_420 = tpu.all_reduce %gt3A_383 {dim = 0 : i64, kind = #tpu.reduction_kind<sum>} : vector<16xi1> -> vector<16xi32>
      %slice3A_421 = vector.extract_strided_slice %all_reduce_population_count3A_420 {offsets = [0], sizes = [1], strides = [1]} : vector<16xi32> to vector<1xi32>
      %squeeze3A_422 = vector.extract %slice3A_421[0] : i32 from vector<1xi32>
      %all_reduce_population_count3A_423 = tpu.all_reduce %gt3A_385 {dim = 0 : i64, kind = #tpu.reduction_kind<sum>} : vector<16xi1> -> vector<16xi32>
      %slice3A_424 = vector.extract_strided_slice %all_reduce_population_count3A_423 {offsets = [0], sizes = [1], strides = [1]} : vector<16xi32> to vector<1xi32>
      %squeeze3A_425 = vector.extract %slice3A_424[0] : i32 from vector<1xi32>
      %all_reduce_population_count3A_426 = tpu.all_reduce %gt3A_387 {dim = 0 : i64, kind = #tpu.reduction_kind<sum>} : vector<16xi1> -> vector<16xi32>
      %slice3A_427 = vector.extract_strided_slice %all_reduce_population_count3A_426 {offsets = [0], sizes = [1], strides = [1]} : vector<16xi32> to vector<1xi32>
      %squeeze3A_428 = vector.extract %slice3A_427[0] : i32 from vector<1xi32>
      %all_reduce_population_count3A_429 = tpu.all_reduce %gt3A_389 {dim = 0 : i64, kind = #tpu.reduction_kind<sum>} : vector<16xi1> -> vector<16xi32>
      %slice3A_430 = vector.extract_strided_slice %all_reduce_population_count3A_429 {offsets = [0], sizes = [1], strides = [1]} : vector<16xi32> to vector<1xi32>
      %squeeze3A_431 = vector.extract %slice3A_430[0] : i32 from vector<1xi32>
      %all_reduce_population_count3A_432 = tpu.all_reduce %gt3A_391 {dim = 0 : i64, kind = #tpu.reduction_kind<sum>} : vector<16xi1> -> vector<16xi32>
      %slice3A_433 = vector.extract_strided_slice %all_reduce_population_count3A_432 {offsets = [0], sizes = [1], strides = [1]} : vector<16xi32> to vector<1xi32>
      %squeeze3A_434 = vector.extract %slice3A_433[0] : i32 from vector<1xi32>
      %all_reduce_population_count3A_435 = tpu.all_reduce %gt3A_393 {dim = 0 : i64, kind = #tpu.reduction_kind<sum>} : vector<16xi1> -> vector<16xi32>
      %slice3A_436 = vector.extract_strided_slice %all_reduce_population_count3A_435 {offsets = [0], sizes = [1], strides = [1]} : vector<16xi32> to vector<1xi32>
      %squeeze3A_437 = vector.extract %slice3A_436[0] : i32 from vector<1xi32>
      %all_reduce_population_count3A_438 = tpu.all_reduce %gt3A_395 {dim = 0 : i64, kind = #tpu.reduction_kind<sum>} : vector<16xi1> -> vector<16xi32>
      %slice3A_439 = vector.extract_strided_slice %all_reduce_population_count3A_438 {offsets = [0], sizes = [1], strides = [1]} : vector<16xi32> to vector<1xi32>
      %squeeze3A_440 = vector.extract %slice3A_439[0] : i32 from vector<1xi32>
      %add3A_441 = arith.constant 0 : i32
      %add3A_442 = arith.addi %add3A_441, %scan3A_266 : i32
      %swap3A = arith.index_cast %add3A_442 : i32 to index
      %swap3A_443 = tpu.vector_load %arg5[%swap3A] masked %gt3A_365 {strides = array<i32>} : memref<16416xf32, #tpu.memory_space<vmem>>, vector<16xf32>, vector<16xi1>
      tpu.vector_store %arg5[%swap3A], %get3A_274 masked %gt3A_365 {strides = array<i32>} : memref<16416xf32, #tpu.memory_space<vmem>>, vector<16xf32>, vector<16xi1>
      %add3A_444 = arith.addi %scan3A_266, %squeeze3A : i32
      %add3A_445 = arith.constant 8208 : i32
      %add3A_446 = arith.addi %add3A_445, %scan3A_267 : i32
      %swap3A_447 = arith.index_cast %add3A_446 : i32 to index
      %swap3A_448 = tpu.vector_load %arg5[%swap3A_447] masked %gt3A_381 {strides = array<i32>} : memref<16416xf32, #tpu.memory_space<vmem>>, vector<16xf32>, vector<16xi1>
      tpu.vector_store %arg5[%swap3A_447], %get3A_322 masked %gt3A_381 {strides = array<i32>} : memref<16416xf32, #tpu.memory_space<vmem>>, vector<16xf32>, vector<16xi1>
      %add3A_449 = arith.addi %scan3A_267, %squeeze3A_419 : i32
      %add3A_450 = arith.constant 0 : i32
      %add3A_451 = arith.addi %add3A_450, %add3A_444 : i32
      %swap3A_452 = arith.index_cast %add3A_451 : i32 to index
      %swap3A_453 = tpu.vector_load %arg5[%swap3A_452] masked %gt3A_367 {strides = array<i32>} : memref<16416xf32, #tpu.memory_space<vmem>>, vector<16xf32>, vector<16xi1>
      tpu.vector_store %arg5[%swap3A_452], %get3A_280 masked %gt3A_367 {strides = array<i32>} : memref<16416xf32, #tpu.memory_space<vmem>>, vector<16xf32>, vector<16xi1>
      %add3A_454 = arith.addi %add3A_444, %squeeze3A_398 : i32
      %add3A_455 = arith.constant 8208 : i32
      %add3A_456 = arith.addi %add3A_455, %add3A_449 : i32
      %swap3A_457 = arith.index_cast %add3A_456 : i32 to index
      %swap3A_458 = tpu.vector_load %arg5[%swap3A_457] masked %gt3A_383 {strides = array<i32>} : memref<16416xf32, #tpu.memory_space<vmem>>, vector<16xf32>, vector<16xi1>
      tpu.vector_store %arg5[%swap3A_457], %get3A_328 masked %gt3A_383 {strides = array<i32>} : memref<16416xf32, #tpu.memory_space<vmem>>, vector<16xf32>, vector<16xi1>
      %add3A_459 = arith.addi %add3A_449, %squeeze3A_422 : i32
      %add3A_460 = arith.constant 0 : i32
      %add3A_461 = arith.addi %add3A_460, %add3A_454 : i32
      %swap3A_462 = arith.index_cast %add3A_461 : i32 to index
      %swap3A_463 = tpu.vector_load %arg5[%swap3A_462] masked %gt3A_369 {strides = array<i32>} : memref<16416xf32, #tpu.memory_space<vmem>>, vector<16xf32>, vector<16xi1>
      tpu.vector_store %arg5[%swap3A_462], %get3A_286 masked %gt3A_369 {strides = array<i32>} : memref<16416xf32, #tpu.memory_space<vmem>>, vector<16xf32>, vector<16xi1>
      %add3A_464 = arith.addi %add3A_454, %squeeze3A_401 : i32
      %add3A_465 = arith.constant 8208 : i32
      %add3A_466 = arith.addi %add3A_465, %add3A_459 : i32
      %swap3A_467 = arith.index_cast %add3A_466 : i32 to index
      %swap3A_468 = tpu.vector_load %arg5[%swap3A_467] masked %gt3A_385 {strides = array<i32>} : memref<16416xf32, #tpu.memory_space<vmem>>, vector<16xf32>, vector<16xi1>
      tpu.vector_store %arg5[%swap3A_467], %get3A_334 masked %gt3A_385 {strides = array<i32>} : memref<16416xf32, #tpu.memory_space<vmem>>, vector<16xf32>, vector<16xi1>
      %add3A_469 = arith.addi %add3A_459, %squeeze3A_425 : i32
      %add3A_470 = arith.constant 0 : i32
      %add3A_471 = arith.addi %add3A_470, %add3A_464 : i32
      %swap3A_472 = arith.index_cast %add3A_471 : i32 to index
      %swap3A_473 = tpu.vector_load %arg5[%swap3A_472] masked %gt3A_371 {strides = array<i32>} : memref<16416xf32, #tpu.memory_space<vmem>>, vector<16xf32>, vector<16xi1>
      tpu.vector_store %arg5[%swap3A_472], %get3A_292 masked %gt3A_371 {strides = array<i32>} : memref<16416xf32, #tpu.memory_space<vmem>>, vector<16xf32>, vector<16xi1>
      %add3A_474 = arith.addi %add3A_464, %squeeze3A_404 : i32
      %add3A_475 = arith.constant 8208 : i32
      %add3A_476 = arith.addi %add3A_475, %add3A_469 : i32
      %swap3A_477 = arith.index_cast %add3A_476 : i32 to index
      %swap3A_478 = tpu.vector_load %arg5[%swap3A_477] masked %gt3A_387 {strides = array<i32>} : memref<16416xf32, #tpu.memory_space<vmem>>, vector<16xf32>, vector<16xi1>
      tpu.vector_store %arg5[%swap3A_477], %get3A_340 masked %gt3A_387 {strides = array<i32>} : memref<16416xf32, #tpu.memory_space<vmem>>, vector<16xf32>, vector<16xi1>
      %add3A_479 = arith.addi %add3A_469, %squeeze3A_428 : i32
      %add3A_480 = arith.constant 0 : i32
      %add3A_481 = arith.addi %add3A_480, %add3A_474 : i32
      %swap3A_482 = arith.index_cast %add3A_481 : i32 to index
      %swap3A_483 = tpu.vector_load %arg5[%swap3A_482] masked %gt3A_373 {strides = array<i32>} : memref<16416xf32, #tpu.memory_space<vmem>>, vector<16xf32>, vector<16xi1>
      tpu.vector_store %arg5[%swap3A_482], %get3A_298 masked %gt3A_373 {strides = array<i32>} : memref<16416xf32, #tpu.memory_space<vmem>>, vector<16xf32>, vector<16xi1>
      %add3A_484 = arith.addi %add3A_474, %squeeze3A_407 : i32
      %add3A_485 = arith.constant 8208 : i32
      %add3A_486 = arith.addi %add3A_485, %add3A_479 : i32
      %swap3A_487 = arith.index_cast %add3A_486 : i32 to index
      %swap3A_488 = tpu.vector_load %arg5[%swap3A_487] masked %gt3A_389 {strides = array<i32>} : memref<16416xf32, #tpu.memory_space<vmem>>, vector<16xf32>, vector<16xi1>
      tpu.vector_store %arg5[%swap3A_487], %get3A_346 masked %gt3A_389 {strides = array<i32>} : memref<16416xf32, #tpu.memory_space<vmem>>, vector<16xf32>, vector<16xi1>
      %add3A_489 = arith.addi %add3A_479, %squeeze3A_431 : i32
      %add3A_490 = arith.constant 0 : i32
      %add3A_491 = arith.addi %add3A_490, %add3A_484 : i32
      %swap3A_492 = arith.index_cast %add3A_491 : i32 to index
      %swap3A_493 = tpu.vector_load %arg5[%swap3A_492] masked %gt3A_375 {strides = array<i32>} : memref<16416xf32, #tpu.memory_space<vmem>>, vector<16xf32>, vector<16xi1>
      tpu.vector_store %arg5[%swap3A_492], %get3A_304 masked %gt3A_375 {strides = array<i32>} : memref<16416xf32, #tpu.memory_space<vmem>>, vector<16xf32>, vector<16xi1>
      %add3A_494 = arith.addi %add3A_484, %squeeze3A_410 : i32
      %add3A_495 = arith.constant 8208 : i32
      %add3A_496 = arith.addi %add3A_495, %add3A_489 : i32
      %swap3A_497 = arith.index_cast %add3A_496 : i32 to index
      %swap3A_498 = tpu.vector_load %arg5[%swap3A_497] masked %gt3A_391 {strides = array<i32>} : memref<16416xf32, #tpu.memory_space<vmem>>, vector<16xf32>, vector<16xi1>
      tpu.vector_store %arg5[%swap3A_497], %get3A_352 masked %gt3A_391 {strides = array<i32>} : memref<16416xf32, #tpu.memory_space<vmem>>, vector<16xf32>, vector<16xi1>
      %add3A_499 = arith.addi %add3A_489, %squeeze3A_434 : i32
      %add3A_500 = arith.constant 0 : i32
      %add3A_501 = arith.addi %add3A_500, %add3A_494 : i32
      %swap3A_502 = arith.index_cast %add3A_501 : i32 to index
      %swap3A_503 = tpu.vector_load %arg5[%swap3A_502] masked %gt3A_377 {strides = array<i32>} : memref<16416xf32, #tpu.memory_space<vmem>>, vector<16xf32>, vector<16xi1>
      tpu.vector_store %arg5[%swap3A_502], %get3A_310 masked %gt3A_377 {strides = array<i32>} : memref<16416xf32, #tpu.memory_space<vmem>>, vector<16xf32>, vector<16xi1>
      %add3A_504 = arith.addi %add3A_494, %squeeze3A_413 : i32
      %add3A_505 = arith.constant 8208 : i32
      %add3A_506 = arith.addi %add3A_505, %add3A_499 : i32
      %swap3A_507 = arith.index_cast %add3A_506 : i32 to index
      %swap3A_508 = tpu.vector_load %arg5[%swap3A_507] masked %gt3A_393 {strides = array<i32>} : memref<16416xf32, #tpu.memory_space<vmem>>, vector<16xf32>, vector<16xi1>
      tpu.vector_store %arg5[%swap3A_507], %get3A_358 masked %gt3A_393 {strides = array<i32>} : memref<16416xf32, #tpu.memory_space<vmem>>, vector<16xf32>, vector<16xi1>
      %add3A_509 = arith.addi %add3A_499, %squeeze3A_437 : i32
      %add3A_510 = arith.constant 0 : i32
      %add3A_511 = arith.addi %add3A_510, %add3A_504 : i32
      %swap3A_512 = arith.index_cast %add3A_511 : i32 to index
      %swap3A_513 = tpu.vector_load %arg5[%swap3A_512] masked %gt3A_379 {strides = array<i32>} : memref<16416xf32, #tpu.memory_space<vmem>>, vector<16xf32>, vector<16xi1>
      tpu.vector_store %arg5[%swap3A_512], %get3A_316 masked %gt3A_379 {strides = array<i32>} : memref<16416xf32, #tpu.memory_space<vmem>>, vector<16xf32>, vector<16xi1>
      %add3A_514 = arith.addi %add3A_504, %squeeze3A_416 : i32
      %add3A_515 = arith.constant 8208 : i32
      %add3A_516 = arith.addi %add3A_515, %add3A_509 : i32
      %swap3A_517 = arith.index_cast %add3A_516 : i32 to index
      %swap3A_518 = tpu.vector_load %arg5[%swap3A_517] masked %gt3A_395 {strides = array<i32>} : memref<16416xf32, #tpu.memory_space<vmem>>, vector<16xf32>, vector<16xi1>
      tpu.vector_store %arg5[%swap3A_517], %get3A_364 masked %gt3A_395 {strides = array<i32>} : memref<16416xf32, #tpu.memory_space<vmem>>, vector<16xf32>, vector<16xi1>
      %add3A_519 = arith.addi %add3A_509, %squeeze3A_440 : i32
      scf.yield %add3A_514, %add3A_519 : i32, i32
    }
    %scan3A_118 = arith.constant 64 : i32
    %add3A_119 = arith.constant 15 : i32
    %add3A_120 = arith.addi %scan3A_117#0, %add3A_119 : i32
    %shift_right_arithmetic3A = arith.constant 4 : i32
    %shift_right_arithmetic3A_121 = arith.shrsi %add3A_120, %shift_right_arithmetic3A : i32
    %add3A_122 = arith.constant 15 : i32
    %add3A_123 = arith.addi %scan3A_117#1, %add3A_122 : i32
    %shift_right_arithmetic3A_124 = arith.constant 4 : i32
    %shift_right_arithmetic3A_125 = arith.shrsi %add3A_123, %shift_right_arithmetic3A_124 : i32
    %max3A = arith.maxsi %shift_right_arithmetic3A_121, %shift_right_arithmetic3A_125 : i32
    %iota3A = tpu.iota {dimensions = array<i32: 0>} : vector<16xi32>
    %convert_element_type3A = arith.sitofp %scan3A_117#0 : i32 to f32
    %convert_element_type3A_126 = arith.sitofp %scan3A_117#1 : i32 to f32
    %while3A = arith.constant 0 : i32
    %while3A_127:5 = scf.while (%while3A_265 = %while3A, %while3A_266 = %sub3A_108, %while3A_267 = %sub3A_110, %while3A_268 = %reduce_max3A_103, %while3A_269 = %reduce_max3A_107) : (i32, f32, f32, f32, f32) -> (i32, f32, f32, f32, f32) {
      %sub3A_270 = arith.subf %while3A_268, %while3A_266 : f32
      %mul3A_271 = arith.mulf %sub3A_270, %convert_element_type3A : f32
      %gt3A = arith.constant 5.000000e-03 : f32
      %gt3A_272 = arith.cmpf ogt, %mul3A_271, %gt3A : f32
      %sub3A_273 = arith.subf %while3A_269, %while3A_267 : f32
      %mul3A_274 = arith.mulf %sub3A_273, %convert_element_type3A_126 : f32
      %gt3A_275 = arith.constant 5.000000e-03 : f32
      %gt3A_276 = arith.cmpf ogt, %mul3A_274, %gt3A_275 : f32
      %or3A = arith.ori %gt3A_272, %gt3A_276 : i1
      %lt3A = arith.constant 26 : i32
      %lt3A_277 = arith.cmpi slt, %while3A_265, %lt3A : i32
      %and3A = arith.andi %or3A, %lt3A_277 : i1
      scf.condition(%and3A) %while3A_265, %while3A_266, %while3A_267, %while3A_268, %while3A_269 : i32, f32, f32, f32, f32
    } do {
    ^bb0(%while3A_265: i32, %while3A_266: f32, %while3A_267: f32, %while3A_268: f32, %while3A_269: f32):
      %add3A_270 = arith.addf %while3A_266, %while3A_268 : f32
      %mul3A_271 = arith.constant 5.000000e-01 : f32
      %mul3A_272 = arith.mulf %mul3A_271, %add3A_270 : f32
      %add3A_273 = arith.addf %while3A_267, %while3A_269 : f32
      %mul3A_274 = arith.constant 5.000000e-01 : f32
      %mul3A_275 = arith.mulf %mul3A_274, %add3A_273 : f32
      %broadcast_in_dim3A_276 = arith.constant 0.000000e+00 : f32
      %broadcast_in_dim3A_277 = vector.broadcast %broadcast_in_dim3A_276 : f32 to vector<16xf32>
      %while3A_278 = arith.constant 0 : i32
      %while3A_279 = arith.subi %max3A, %while3A_278 : i32
      %while3A_280 = arith.addi %while3A_278, %while3A_279 : i32
      %while3A_281 = arith.constant 1 : i32
      %while3A_282 = arith.divsi %while3A_279, %while3A_281 : i32
      %while3A_283 = arith.muli %while3A_282, %while3A_281 : i32
      %while3A_284 = arith.addi %while3A_278, %while3A_283 : i32
      %while3A_285 = arith.constant 1 : i32
      %while3A_286:2 = scf.for %while3A_309 = %while3A_278 to %while3A_284 step %while3A_285 iter_args(%while3A_310 = %broadcast_in_dim3A_277, %while3A_311 = %broadcast_in_dim3A_277) -> (vector<16xf32>, vector<16xf32>)  : i32 {
        %mul3A_312 = arith.constant 16 : i32
        %mul3A_313 = arith.muli %while3A_309, %mul3A_312 : i32
        %add3A_314 = vector.broadcast %mul3A_313 : i32 to vector<16xi32>
        %add3A_315 = arith.addi %iota3A, %add3A_314 : vector<16xi32>
        %mul3A_316 = arith.constant 16 : i32
        %mul3A_317 = arith.muli %while3A_309, %mul3A_316 : i32
        %add3A_318 = arith.constant 0 : i32
        %add3A_319 = arith.addi %add3A_318, %mul3A_317 : i32
        %get3A = arith.index_cast %add3A_319 : i32 to index
        %get3A_320 = tpu.vector_load %arg5[%get3A] {strides = array<i32>} : memref<16416xf32, #tpu.memory_space<vmem>>, vector<16xf32>,
        %sub3A_321 = vector.broadcast %mul3A_272 : f32 to vector<16xf32>
        %sub3A_322 = arith.subf %get3A_320, %sub3A_321 : vector<16xf32>
        %max3A_323 = arith.constant 0.000000e+00 : f32
        %max3A_324 = vector.broadcast %max3A_323 : f32 to vector<16xf32>
        %max3A_325 = arith.maximumf %sub3A_322, %max3A_324 : vector<16xf32>
        %lt3A = vector.broadcast %scan3A_117#0 : i32 to vector<16xi32>
        %lt3A_326 = arith.cmpi slt, %add3A_315, %lt3A : vector<16xi32>
        %jit3A = arith.constant 0.000000e+00 : f32
        %broadcast_in_dim3A_327 = vector.broadcast %jit3A : f32 to vector<16xf32>
        %select_n3A_328 = arith.select %lt3A_326, %max3A_325, %broadcast_in_dim3A_327 : vector<16xi1>, vector<16xf32>
        %add3A_329 = arith.addf %while3A_310, %select_n3A_328 : vector<16xf32>
        %mul3A_330 = arith.constant 16 : i32
        %mul3A_331 = arith.muli %while3A_309, %mul3A_330 : i32
        %add3A_332 = arith.constant 8208 : i32
        %add3A_333 = arith.addi %add3A_332, %mul3A_331 : i32
        %get3A_334 = arith.index_cast %add3A_333 : i32 to index
        %get3A_335 = tpu.vector_load %arg5[%get3A_334] {strides = array<i32>} : memref<16416xf32, #tpu.memory_space<vmem>>, vector<16xf32>,
        %sub3A_336 = vector.broadcast %mul3A_275 : f32 to vector<16xf32>
        %sub3A_337 = arith.subf %get3A_335, %sub3A_336 : vector<16xf32>
        %max3A_338 = arith.constant 0.000000e+00 : f32
        %max3A_339 = vector.broadcast %max3A_338 : f32 to vector<16xf32>
        %max3A_340 = arith.maximumf %sub3A_337, %max3A_339 : vector<16xf32>
        %lt3A_341 = vector.broadcast %scan3A_117#1 : i32 to vector<16xi32>
        %lt3A_342 = arith.cmpi slt, %add3A_315, %lt3A_341 : vector<16xi32>
        %jit3A_343 = arith.constant 0.000000e+00 : f32
        %broadcast_in_dim3A_344 = vector.broadcast %jit3A_343 : f32 to vector<16xf32>
        %select_n3A_345 = arith.select %lt3A_342, %max3A_340, %broadcast_in_dim3A_344 : vector<16xi1>, vector<16xf32>
        %add3A_346 = arith.addf %while3A_311, %select_n3A_345 : vector<16xf32>
        scf.yield %add3A_329, %add3A_346 : vector<16xf32>, vector<16xf32>
      }
      %while3A_287 = arith.constant 1 : i32
      %while3A_288:2 = scf.for %while3A_309 = %while3A_284 to %while3A_280 step %while3A_287 iter_args(%while3A_310 = %while3A_286#0, %while3A_311 = %while3A_286#1) -> (vector<16xf32>, vector<16xf32>)  : i32 {
        %mul3A_312 = arith.constant 16 : i32
        %mul3A_313 = arith.muli %while3A_309, %mul3A_312 : i32
        %add3A_314 = vector.broadcast %mul3A_313 : i32 to vector<16xi32>
        %add3A_315 = arith.addi %iota3A, %add3A_314 : vector<16xi32>
        %mul3A_316 = arith.constant 16 : i32
        %mul3A_317 = arith.muli %while3A_309, %mul3A_316 : i32
        %add3A_318 = arith.constant 0 : i32
        %add3A_319 = arith.addi %add3A_318, %mul3A_317 : i32
        %get3A = arith.index_cast %add3A_319 : i32 to index
        %get3A_320 = tpu.vector_load %arg5[%get3A] {strides = array<i32>} : memref<16416xf32, #tpu.memory_space<vmem>>, vector<16xf32>,
        %sub3A_321 = vector.broadcast %mul3A_272 : f32 to vector<16xf32>
        %sub3A_322 = arith.subf %get3A_320, %sub3A_321 : vector<16xf32>
        %max3A_323 = arith.constant 0.000000e+00 : f32
        %max3A_324 = vector.broadcast %max3A_323 : f32 to vector<16xf32>
        %max3A_325 = arith.maximumf %sub3A_322, %max3A_324 : vector<16xf32>
        %lt3A = vector.broadcast %scan3A_117#0 : i32 to vector<16xi32>
        %lt3A_326 = arith.cmpi slt, %add3A_315, %lt3A : vector<16xi32>
        %jit3A = arith.constant 0.000000e+00 : f32
        %broadcast_in_dim3A_327 = vector.broadcast %jit3A : f32 to vector<16xf32>
        %select_n3A_328 = arith.select %lt3A_326, %max3A_325, %broadcast_in_dim3A_327 : vector<16xi1>, vector<16xf32>
        %add3A_329 = arith.addf %while3A_310, %select_n3A_328 : vector<16xf32>
        %mul3A_330 = arith.constant 16 : i32
        %mul3A_331 = arith.muli %while3A_309, %mul3A_330 : i32
        %add3A_332 = arith.constant 8208 : i32
        %add3A_333 = arith.addi %add3A_332, %mul3A_331 : i32
        %get3A_334 = arith.index_cast %add3A_333 : i32 to index
        %get3A_335 = tpu.vector_load %arg5[%get3A_334] {strides = array<i32>} : memref<16416xf32, #tpu.memory_space<vmem>>, vector<16xf32>,
        %sub3A_336 = vector.broadcast %mul3A_275 : f32 to vector<16xf32>
        %sub3A_337 = arith.subf %get3A_335, %sub3A_336 : vector<16xf32>
        %max3A_338 = arith.constant 0.000000e+00 : f32
        %max3A_339 = vector.broadcast %max3A_338 : f32 to vector<16xf32>
        %max3A_340 = arith.maximumf %sub3A_337, %max3A_339 : vector<16xf32>
        %lt3A_341 = vector.broadcast %scan3A_117#1 : i32 to vector<16xi32>
        %lt3A_342 = arith.cmpi slt, %add3A_315, %lt3A_341 : vector<16xi32>
        %jit3A_343 = arith.constant 0.000000e+00 : f32
        %broadcast_in_dim3A_344 = vector.broadcast %jit3A_343 : f32 to vector<16xf32>
        %select_n3A_345 = arith.select %lt3A_342, %max3A_340, %broadcast_in_dim3A_344 : vector<16xi1>, vector<16xf32>
        %add3A_346 = arith.addf %while3A_311, %select_n3A_345 : vector<16xf32>
        scf.yield %add3A_329, %add3A_346 : vector<16xf32>, vector<16xf32>
      }
      %reduce_sum3A_289 = arith.constant true
      %reduce_sum3A_290 = vector.broadcast %reduce_sum3A_289 : i1 to vector<16xi1>
      %reduce_sum3A_291 = tpu.scan <sum>, %while3A_288#0 masked %reduce_sum3A_290 : vector<16xf32>, vector<16xi1> -> vector<16xf32>
      %reduce_sum3A_292 = vector.extract %reduce_sum3A_291[15] : f32 from vector<16xf32>
      %sub3A_293 = arith.constant 1.000000e+00 : f32
      %sub3A_294 = arith.subf %reduce_sum3A_292, %sub3A_293 : f32
      %ge3A = arith.constant 0.000000e+00 : f32
      %ge3A_295 = arith.cmpf oge, %sub3A_294, %ge3A : f32
      %reduce_sum3A_296 = arith.constant true
      %reduce_sum3A_297 = vector.broadcast %reduce_sum3A_296 : i1 to vector<16xi1>
      %reduce_sum3A_298 = tpu.scan <sum>, %while3A_288#1 masked %reduce_sum3A_297 : vector<16xf32>, vector<16xi1> -> vector<16xf32>
      %reduce_sum3A_299 = vector.extract %reduce_sum3A_298[15] : f32 from vector<16xf32>
      %sub3A_300 = arith.constant 1.000000e+00 : f32
      %sub3A_301 = arith.subf %reduce_sum3A_299, %sub3A_300 : f32
      %ge3A_302 = arith.constant 0.000000e+00 : f32
      %ge3A_303 = arith.cmpf oge, %sub3A_301, %ge3A_302 : f32
      %add3A_304 = arith.constant 1 : i32
      %add3A_305 = arith.addi %while3A_265, %add3A_304 : i32
      %select_n3A = arith.select %ge3A_295, %mul3A_272, %while3A_266 : f32
      %select_n3A_306 = arith.select %ge3A_303, %mul3A_275, %while3A_267 : f32
      %select_n3A_307 = arith.select %ge3A_295, %while3A_268, %mul3A_272 : f32
      %select_n3A_308 = arith.select %ge3A_303, %while3A_269, %mul3A_275 : f32
      scf.yield %add3A_305, %select_n3A, %select_n3A_306, %select_n3A_307, %select_n3A_308 : i32, f32, f32, f32, f32
    }
    %broadcast_in_dim3A_128 = arith.constant 0.000000e+00 : f32
    %broadcast_in_dim3A_129 = vector.broadcast %broadcast_in_dim3A_128 : f32 to vector<16xf32>
    %while3A_130 = arith.constant 0 : i32
    %while3A_131 = arith.subi %max3A, %while3A_130 : i32
    %while3A_132 = arith.addi %while3A_130, %while3A_131 : i32
    %while3A_133 = arith.constant 1 : i32
    %while3A_134 = arith.divsi %while3A_131, %while3A_133 : i32
    %while3A_135 = arith.muli %while3A_134, %while3A_133 : i32
    %while3A_136 = arith.addi %while3A_130, %while3A_135 : i32
    %while3A_137 = arith.constant 1 : i32
    %while3A_138:4 = scf.for %while3A_265 = %while3A_130 to %while3A_136 step %while3A_137 iter_args(%while3A_266 = %broadcast_in_dim3A_129, %while3A_267 = %broadcast_in_dim3A_129, %while3A_268 = %broadcast_in_dim3A_129, %while3A_269 = %broadcast_in_dim3A_129) -> (vector<16xf32>, vector<16xf32>, vector<16xf32>, vector<16xf32>)  : i32 {
      %mul3A_270 = arith.constant 16 : i32
      %mul3A_271 = arith.muli %while3A_265, %mul3A_270 : i32
      %add3A_272 = vector.broadcast %mul3A_271 : i32 to vector<16xi32>
      %add3A_273 = arith.addi %iota3A, %add3A_272 : vector<16xi32>
      %mul3A_274 = arith.constant 16 : i32
      %mul3A_275 = arith.muli %while3A_265, %mul3A_274 : i32
      %add3A_276 = arith.constant 0 : i32
      %add3A_277 = arith.addi %add3A_276, %mul3A_275 : i32
      %get3A = arith.index_cast %add3A_277 : i32 to index
      %get3A_278 = tpu.vector_load %arg5[%get3A] {strides = array<i32>} : memref<16416xf32, #tpu.memory_space<vmem>>, vector<16xf32>,
      %gt3A = vector.broadcast %while3A_127#1 : f32 to vector<16xf32>
      %gt3A_279 = arith.cmpf ogt, %get3A_278, %gt3A : vector<16xf32>
      %lt3A = vector.broadcast %scan3A_117#0 : i32 to vector<16xi32>
      %lt3A_280 = arith.cmpi slt, %add3A_273, %lt3A : vector<16xi32>
      %and3A = arith.andi %gt3A_279, %lt3A_280 : vector<16xi1>
      %jit3A = arith.constant 1.000000e+00 : f32
      %jit3A_281 = arith.constant 0.000000e+00 : f32
      %broadcast_in_dim3A_282 = vector.broadcast %jit3A : f32 to vector<16xf32>
      %broadcast_in_dim3A_283 = vector.broadcast %jit3A_281 : f32 to vector<16xf32>
      %select_n3A = arith.select %and3A, %broadcast_in_dim3A_282, %broadcast_in_dim3A_283 : vector<16xi1>, vector<16xf32>
      %add3A_284 = arith.addf %while3A_266, %select_n3A : vector<16xf32>
      %jit3A_285 = arith.constant 0.000000e+00 : f32
      %broadcast_in_dim3A_286 = vector.broadcast %jit3A_285 : f32 to vector<16xf32>
      %select_n3A_287 = arith.select %and3A, %get3A_278, %broadcast_in_dim3A_286 : vector<16xi1>, vector<16xf32>
      %add3A_288 = arith.addf %while3A_268, %select_n3A_287 : vector<16xf32>
      %mul3A_289 = arith.constant 16 : i32
      %mul3A_290 = arith.muli %while3A_265, %mul3A_289 : i32
      %add3A_291 = arith.constant 8208 : i32
      %add3A_292 = arith.addi %add3A_291, %mul3A_290 : i32
      %get3A_293 = arith.index_cast %add3A_292 : i32 to index
      %get3A_294 = tpu.vector_load %arg5[%get3A_293] {strides = array<i32>} : memref<16416xf32, #tpu.memory_space<vmem>>, vector<16xf32>,
      %gt3A_295 = vector.broadcast %while3A_127#2 : f32 to vector<16xf32>
      %gt3A_296 = arith.cmpf ogt, %get3A_294, %gt3A_295 : vector<16xf32>
      %lt3A_297 = vector.broadcast %scan3A_117#1 : i32 to vector<16xi32>
      %lt3A_298 = arith.cmpi slt, %add3A_273, %lt3A_297 : vector<16xi32>
      %and3A_299 = arith.andi %gt3A_296, %lt3A_298 : vector<16xi1>
      %jit3A_300 = arith.constant 1.000000e+00 : f32
      %jit3A_301 = arith.constant 0.000000e+00 : f32
      %broadcast_in_dim3A_302 = vector.broadcast %jit3A_300 : f32 to vector<16xf32>
      %broadcast_in_dim3A_303 = vector.broadcast %jit3A_301 : f32 to vector<16xf32>
      %select_n3A_304 = arith.select %and3A_299, %broadcast_in_dim3A_302, %broadcast_in_dim3A_303 : vector<16xi1>, vector<16xf32>
      %add3A_305 = arith.addf %while3A_267, %select_n3A_304 : vector<16xf32>
      %jit3A_306 = arith.constant 0.000000e+00 : f32
      %broadcast_in_dim3A_307 = vector.broadcast %jit3A_306 : f32 to vector<16xf32>
      %select_n3A_308 = arith.select %and3A_299, %get3A_294, %broadcast_in_dim3A_307 : vector<16xi1>, vector<16xf32>
      %add3A_309 = arith.addf %while3A_269, %select_n3A_308 : vector<16xf32>
      scf.yield %add3A_284, %add3A_305, %add3A_288, %add3A_309 : vector<16xf32>, vector<16xf32>, vector<16xf32>, vector<16xf32>
    }
    %while3A_139 = arith.constant 1 : i32
    %while3A_140:4 = scf.for %while3A_265 = %while3A_136 to %while3A_132 step %while3A_139 iter_args(%while3A_266 = %while3A_138#0, %while3A_267 = %while3A_138#1, %while3A_268 = %while3A_138#2, %while3A_269 = %while3A_138#3) -> (vector<16xf32>, vector<16xf32>, vector<16xf32>, vector<16xf32>)  : i32 {
      %mul3A_270 = arith.constant 16 : i32
      %mul3A_271 = arith.muli %while3A_265, %mul3A_270 : i32
      %add3A_272 = vector.broadcast %mul3A_271 : i32 to vector<16xi32>
      %add3A_273 = arith.addi %iota3A, %add3A_272 : vector<16xi32>
      %mul3A_274 = arith.constant 16 : i32
      %mul3A_275 = arith.muli %while3A_265, %mul3A_274 : i32
      %add3A_276 = arith.constant 0 : i32
      %add3A_277 = arith.addi %add3A_276, %mul3A_275 : i32
      %get3A = arith.index_cast %add3A_277 : i32 to index
      %get3A_278 = tpu.vector_load %arg5[%get3A] {strides = array<i32>} : memref<16416xf32, #tpu.memory_space<vmem>>, vector<16xf32>,
      %gt3A = vector.broadcast %while3A_127#1 : f32 to vector<16xf32>
      %gt3A_279 = arith.cmpf ogt, %get3A_278, %gt3A : vector<16xf32>
      %lt3A = vector.broadcast %scan3A_117#0 : i32 to vector<16xi32>
      %lt3A_280 = arith.cmpi slt, %add3A_273, %lt3A : vector<16xi32>
      %and3A = arith.andi %gt3A_279, %lt3A_280 : vector<16xi1>
      %jit3A = arith.constant 1.000000e+00 : f32
      %jit3A_281 = arith.constant 0.000000e+00 : f32
      %broadcast_in_dim3A_282 = vector.broadcast %jit3A : f32 to vector<16xf32>
      %broadcast_in_dim3A_283 = vector.broadcast %jit3A_281 : f32 to vector<16xf32>
      %select_n3A = arith.select %and3A, %broadcast_in_dim3A_282, %broadcast_in_dim3A_283 : vector<16xi1>, vector<16xf32>
      %add3A_284 = arith.addf %while3A_266, %select_n3A : vector<16xf32>
      %jit3A_285 = arith.constant 0.000000e+00 : f32
      %broadcast_in_dim3A_286 = vector.broadcast %jit3A_285 : f32 to vector<16xf32>
      %select_n3A_287 = arith.select %and3A, %get3A_278, %broadcast_in_dim3A_286 : vector<16xi1>, vector<16xf32>
      %add3A_288 = arith.addf %while3A_268, %select_n3A_287 : vector<16xf32>
      %mul3A_289 = arith.constant 16 : i32
      %mul3A_290 = arith.muli %while3A_265, %mul3A_289 : i32
      %add3A_291 = arith.constant 8208 : i32
      %add3A_292 = arith.addi %add3A_291, %mul3A_290 : i32
      %get3A_293 = arith.index_cast %add3A_292 : i32 to index
      %get3A_294 = tpu.vector_load %arg5[%get3A_293] {strides = array<i32>} : memref<16416xf32, #tpu.memory_space<vmem>>, vector<16xf32>,
      %gt3A_295 = vector.broadcast %while3A_127#2 : f32 to vector<16xf32>
      %gt3A_296 = arith.cmpf ogt, %get3A_294, %gt3A_295 : vector<16xf32>
      %lt3A_297 = vector.broadcast %scan3A_117#1 : i32 to vector<16xi32>
      %lt3A_298 = arith.cmpi slt, %add3A_273, %lt3A_297 : vector<16xi32>
      %and3A_299 = arith.andi %gt3A_296, %lt3A_298 : vector<16xi1>
      %jit3A_300 = arith.constant 1.000000e+00 : f32
      %jit3A_301 = arith.constant 0.000000e+00 : f32
      %broadcast_in_dim3A_302 = vector.broadcast %jit3A_300 : f32 to vector<16xf32>
      %broadcast_in_dim3A_303 = vector.broadcast %jit3A_301 : f32 to vector<16xf32>
      %select_n3A_304 = arith.select %and3A_299, %broadcast_in_dim3A_302, %broadcast_in_dim3A_303 : vector<16xi1>, vector<16xf32>
      %add3A_305 = arith.addf %while3A_267, %select_n3A_304 : vector<16xf32>
      %jit3A_306 = arith.constant 0.000000e+00 : f32
      %broadcast_in_dim3A_307 = vector.broadcast %jit3A_306 : f32 to vector<16xf32>
      %select_n3A_308 = arith.select %and3A_299, %get3A_294, %broadcast_in_dim3A_307 : vector<16xi1>, vector<16xf32>
      %add3A_309 = arith.addf %while3A_269, %select_n3A_308 : vector<16xf32>
      scf.yield %add3A_284, %add3A_305, %add3A_288, %add3A_309 : vector<16xf32>, vector<16xf32>, vector<16xf32>, vector<16xf32>
    }
    %reduce_sum3A = arith.constant true
    %reduce_sum3A_141 = vector.broadcast %reduce_sum3A : i1 to vector<16xi1>
    %reduce_sum3A_142 = tpu.scan <sum>, %while3A_140#2 masked %reduce_sum3A_141 : vector<16xf32>, vector<16xi1> -> vector<16xf32>
    %reduce_sum3A_143 = vector.extract %reduce_sum3A_142[15] : f32 from vector<16xf32>
    %sub3A_144 = arith.constant 1.000000e+00 : f32
    %sub3A_145 = arith.subf %reduce_sum3A_143, %sub3A_144 : f32
    %broadcast_in_dim3A_146 = vector.broadcast %sub3A_145 : f32 to vector<16xf32>
    %reduce_sum3A_147 = arith.constant true
    %reduce_sum3A_148 = vector.broadcast %reduce_sum3A_147 : i1 to vector<16xi1>
    %reduce_sum3A_149 = tpu.scan <sum>, %while3A_140#0 masked %reduce_sum3A_148 : vector<16xf32>, vector<16xi1> -> vector<16xf32>
    %reduce_sum3A_150 = vector.extract %reduce_sum3A_149[15] : f32 from vector<16xf32>
    %broadcast_in_dim3A_151 = vector.broadcast %reduce_sum3A_150 : f32 to vector<16xf32>
    %div3A = arith.divf %broadcast_in_dim3A_146, %broadcast_in_dim3A_151 : vector<16xf32>
    %reduce_sum3A_152 = arith.constant true
    %reduce_sum3A_153 = vector.broadcast %reduce_sum3A_152 : i1 to vector<16xi1>
    %reduce_sum3A_154 = tpu.scan <sum>, %while3A_140#3 masked %reduce_sum3A_153 : vector<16xf32>, vector<16xi1> -> vector<16xf32>
    %reduce_sum3A_155 = vector.extract %reduce_sum3A_154[15] : f32 from vector<16xf32>
    %sub3A_156 = arith.constant 1.000000e+00 : f32
    %sub3A_157 = arith.subf %reduce_sum3A_155, %sub3A_156 : f32
    %broadcast_in_dim3A_158 = vector.broadcast %sub3A_157 : f32 to vector<16xf32>
    %reduce_sum3A_159 = arith.constant true
    %reduce_sum3A_160 = vector.broadcast %reduce_sum3A_159 : i1 to vector<16xi1>
    %reduce_sum3A_161 = tpu.scan <sum>, %while3A_140#1 masked %reduce_sum3A_160 : vector<16xf32>, vector<16xi1> -> vector<16xf32>
    %reduce_sum3A_162 = vector.extract %reduce_sum3A_161[15] : f32 from vector<16xf32>
    %broadcast_in_dim3A_163 = vector.broadcast %reduce_sum3A_162 : f32 to vector<16xf32>
    %div3A_164 = arith.divf %broadcast_in_dim3A_158, %broadcast_in_dim3A_163 : vector<16xf32>
    %scan3A_165 = arith.constant 0 : i32
    %scan3A_166 = arith.constant 0 : i32
    %scan3A_167 = arith.constant 32 : i32
    %scan3A_168 = arith.addi %scan3A_166, %scan3A_167 : i32
    %scan3A_169 = arith.constant 1 : i32
    scf.for %scan3A_265 = %scan3A_166 to %scan3A_168 step %scan3A_169  : i32 {
      %mul3A_266 = arith.constant 128 : i32
      %mul3A_267 = arith.muli %scan3A_265, %mul3A_266 : i32
      %add3A_268 = arith.constant 0 : i32
      %add3A_269 = arith.addi %add3A_268, %mul3A_267 : i32
      %add3A_270 = arith.constant 0 : i32
      %add3A_271 = arith.addi %add3A_269, %add3A_270 : i32
      %get3A = arith.index_cast %add3A_271 : i32 to index
      %get3A_272 = tpu.vector_load %arg4[%get3A] {strides = array<i32>} : memref<16384xf32, #tpu.memory_space<vmem>>, vector<16xf32>,
      %sub3A_273 = arith.subf %get3A_272, %div3A : vector<16xf32>
      %max3A_274 = arith.constant 0.000000e+00 : f32
      %max3A_275 = vector.broadcast %max3A_274 : f32 to vector<16xf32>
      %max3A_276 = arith.maximumf %sub3A_273, %max3A_275 : vector<16xf32>
      %add3A_277 = arith.constant 0 : i32
      %add3A_278 = arith.addi %add3A_277, %mul3A_267 : i32
      %add3A_279 = arith.constant 16 : i32
      %add3A_280 = arith.addi %add3A_278, %add3A_279 : i32
      %get3A_281 = arith.index_cast %add3A_280 : i32 to index
      %get3A_282 = tpu.vector_load %arg4[%get3A_281] {strides = array<i32>} : memref<16384xf32, #tpu.memory_space<vmem>>, vector<16xf32>,
      %sub3A_283 = arith.subf %get3A_282, %div3A : vector<16xf32>
      %max3A_284 = arith.constant 0.000000e+00 : f32
      %max3A_285 = vector.broadcast %max3A_284 : f32 to vector<16xf32>
      %max3A_286 = arith.maximumf %sub3A_283, %max3A_285 : vector<16xf32>
      %add3A_287 = arith.constant 0 : i32
      %add3A_288 = arith.addi %add3A_287, %mul3A_267 : i32
      %add3A_289 = arith.constant 32 : i32
      %add3A_290 = arith.addi %add3A_288, %add3A_289 : i32
      %get3A_291 = arith.index_cast %add3A_290 : i32 to index
      %get3A_292 = tpu.vector_load %arg4[%get3A_291] {strides = array<i32>} : memref<16384xf32, #tpu.memory_space<vmem>>, vector<16xf32>,
      %sub3A_293 = arith.subf %get3A_292, %div3A : vector<16xf32>
      %max3A_294 = arith.constant 0.000000e+00 : f32
      %max3A_295 = vector.broadcast %max3A_294 : f32 to vector<16xf32>
      %max3A_296 = arith.maximumf %sub3A_293, %max3A_295 : vector<16xf32>
      %add3A_297 = arith.constant 0 : i32
      %add3A_298 = arith.addi %add3A_297, %mul3A_267 : i32
      %add3A_299 = arith.constant 48 : i32
      %add3A_300 = arith.addi %add3A_298, %add3A_299 : i32
      %get3A_301 = arith.index_cast %add3A_300 : i32 to index
      %get3A_302 = tpu.vector_load %arg4[%get3A_301] {strides = array<i32>} : memref<16384xf32, #tpu.memory_space<vmem>>, vector<16xf32>,
      %sub3A_303 = arith.subf %get3A_302, %div3A : vector<16xf32>
      %max3A_304 = arith.constant 0.000000e+00 : f32
      %max3A_305 = vector.broadcast %max3A_304 : f32 to vector<16xf32>
      %max3A_306 = arith.maximumf %sub3A_303, %max3A_305 : vector<16xf32>
      %add3A_307 = arith.constant 0 : i32
      %add3A_308 = arith.addi %add3A_307, %mul3A_267 : i32
      %add3A_309 = arith.constant 64 : i32
      %add3A_310 = arith.addi %add3A_308, %add3A_309 : i32
      %get3A_311 = arith.index_cast %add3A_310 : i32 to index
      %get3A_312 = tpu.vector_load %arg4[%get3A_311] {strides = array<i32>} : memref<16384xf32, #tpu.memory_space<vmem>>, vector<16xf32>,
      %sub3A_313 = arith.subf %get3A_312, %div3A : vector<16xf32>
      %max3A_314 = arith.constant 0.000000e+00 : f32
      %max3A_315 = vector.broadcast %max3A_314 : f32 to vector<16xf32>
      %max3A_316 = arith.maximumf %sub3A_313, %max3A_315 : vector<16xf32>
      %add3A_317 = arith.constant 0 : i32
      %add3A_318 = arith.addi %add3A_317, %mul3A_267 : i32
      %add3A_319 = arith.constant 80 : i32
      %add3A_320 = arith.addi %add3A_318, %add3A_319 : i32
      %get3A_321 = arith.index_cast %add3A_320 : i32 to index
      %get3A_322 = tpu.vector_load %arg4[%get3A_321] {strides = array<i32>} : memref<16384xf32, #tpu.memory_space<vmem>>, vector<16xf32>,
      %sub3A_323 = arith.subf %get3A_322, %div3A : vector<16xf32>
      %max3A_324 = arith.constant 0.000000e+00 : f32
      %max3A_325 = vector.broadcast %max3A_324 : f32 to vector<16xf32>
      %max3A_326 = arith.maximumf %sub3A_323, %max3A_325 : vector<16xf32>
      %add3A_327 = arith.constant 0 : i32
      %add3A_328 = arith.addi %add3A_327, %mul3A_267 : i32
      %add3A_329 = arith.constant 96 : i32
      %add3A_330 = arith.addi %add3A_328, %add3A_329 : i32
      %get3A_331 = arith.index_cast %add3A_330 : i32 to index
      %get3A_332 = tpu.vector_load %arg4[%get3A_331] {strides = array<i32>} : memref<16384xf32, #tpu.memory_space<vmem>>, vector<16xf32>,
      %sub3A_333 = arith.subf %get3A_332, %div3A : vector<16xf32>
      %max3A_334 = arith.constant 0.000000e+00 : f32
      %max3A_335 = vector.broadcast %max3A_334 : f32 to vector<16xf32>
      %max3A_336 = arith.maximumf %sub3A_333, %max3A_335 : vector<16xf32>
      %add3A_337 = arith.constant 0 : i32
      %add3A_338 = arith.addi %add3A_337, %mul3A_267 : i32
      %add3A_339 = arith.constant 112 : i32
      %add3A_340 = arith.addi %add3A_338, %add3A_339 : i32
      %get3A_341 = arith.index_cast %add3A_340 : i32 to index
      %get3A_342 = tpu.vector_load %arg4[%get3A_341] {strides = array<i32>} : memref<16384xf32, #tpu.memory_space<vmem>>, vector<16xf32>,
      %sub3A_343 = arith.subf %get3A_342, %div3A : vector<16xf32>
      %max3A_344 = arith.constant 0.000000e+00 : f32
      %max3A_345 = vector.broadcast %max3A_344 : f32 to vector<16xf32>
      %max3A_346 = arith.maximumf %sub3A_343, %max3A_345 : vector<16xf32>
      %add3A_347 = arith.constant 8192 : i32
      %add3A_348 = arith.addi %add3A_347, %mul3A_267 : i32
      %add3A_349 = arith.constant 0 : i32
      %add3A_350 = arith.addi %add3A_348, %add3A_349 : i32
      %get3A_351 = arith.index_cast %add3A_350 : i32 to index
      %get3A_352 = tpu.vector_load %arg4[%get3A_351] {strides = array<i32>} : memref<16384xf32, #tpu.memory_space<vmem>>, vector<16xf32>,
      %sub3A_353 = arith.subf %get3A_352, %div3A_164 : vector<16xf32>
      %max3A_354 = arith.constant 0.000000e+00 : f32
      %max3A_355 = vector.broadcast %max3A_354 : f32 to vector<16xf32>
      %max3A_356 = arith.maximumf %sub3A_353, %max3A_355 : vector<16xf32>
      %add3A_357 = arith.constant 8192 : i32
      %add3A_358 = arith.addi %add3A_357, %mul3A_267 : i32
      %add3A_359 = arith.constant 16 : i32
      %add3A_360 = arith.addi %add3A_358, %add3A_359 : i32
      %get3A_361 = arith.index_cast %add3A_360 : i32 to index
      %get3A_362 = tpu.vector_load %arg4[%get3A_361] {strides = array<i32>} : memref<16384xf32, #tpu.memory_space<vmem>>, vector<16xf32>,
      %sub3A_363 = arith.subf %get3A_362, %div3A_164 : vector<16xf32>
      %max3A_364 = arith.constant 0.000000e+00 : f32
      %max3A_365 = vector.broadcast %max3A_364 : f32 to vector<16xf32>
      %max3A_366 = arith.maximumf %sub3A_363, %max3A_365 : vector<16xf32>
      %add3A_367 = arith.constant 8192 : i32
      %add3A_368 = arith.addi %add3A_367, %mul3A_267 : i32
      %add3A_369 = arith.constant 32 : i32
      %add3A_370 = arith.addi %add3A_368, %add3A_369 : i32
      %get3A_371 = arith.index_cast %add3A_370 : i32 to index
      %get3A_372 = tpu.vector_load %arg4[%get3A_371] {strides = array<i32>} : memref<16384xf32, #tpu.memory_space<vmem>>, vector<16xf32>,
      %sub3A_373 = arith.subf %get3A_372, %div3A_164 : vector<16xf32>
      %max3A_374 = arith.constant 0.000000e+00 : f32
      %max3A_375 = vector.broadcast %max3A_374 : f32 to vector<16xf32>
      %max3A_376 = arith.maximumf %sub3A_373, %max3A_375 : vector<16xf32>
      %add3A_377 = arith.constant 8192 : i32
      %add3A_378 = arith.addi %add3A_377, %mul3A_267 : i32
      %add3A_379 = arith.constant 48 : i32
      %add3A_380 = arith.addi %add3A_378, %add3A_379 : i32
      %get3A_381 = arith.index_cast %add3A_380 : i32 to index
      %get3A_382 = tpu.vector_load %arg4[%get3A_381] {strides = array<i32>} : memref<16384xf32, #tpu.memory_space<vmem>>, vector<16xf32>,
      %sub3A_383 = arith.subf %get3A_382, %div3A_164 : vector<16xf32>
      %max3A_384 = arith.constant 0.000000e+00 : f32
      %max3A_385 = vector.broadcast %max3A_384 : f32 to vector<16xf32>
      %max3A_386 = arith.maximumf %sub3A_383, %max3A_385 : vector<16xf32>
      %add3A_387 = arith.constant 8192 : i32
      %add3A_388 = arith.addi %add3A_387, %mul3A_267 : i32
      %add3A_389 = arith.constant 64 : i32
      %add3A_390 = arith.addi %add3A_388, %add3A_389 : i32
      %get3A_391 = arith.index_cast %add3A_390 : i32 to index
      %get3A_392 = tpu.vector_load %arg4[%get3A_391] {strides = array<i32>} : memref<16384xf32, #tpu.memory_space<vmem>>, vector<16xf32>,
      %sub3A_393 = arith.subf %get3A_392, %div3A_164 : vector<16xf32>
      %max3A_394 = arith.constant 0.000000e+00 : f32
      %max3A_395 = vector.broadcast %max3A_394 : f32 to vector<16xf32>
      %max3A_396 = arith.maximumf %sub3A_393, %max3A_395 : vector<16xf32>
      %add3A_397 = arith.constant 8192 : i32
      %add3A_398 = arith.addi %add3A_397, %mul3A_267 : i32
      %add3A_399 = arith.constant 80 : i32
      %add3A_400 = arith.addi %add3A_398, %add3A_399 : i32
      %get3A_401 = arith.index_cast %add3A_400 : i32 to index
      %get3A_402 = tpu.vector_load %arg4[%get3A_401] {strides = array<i32>} : memref<16384xf32, #tpu.memory_space<vmem>>, vector<16xf32>,
      %sub3A_403 = arith.subf %get3A_402, %div3A_164 : vector<16xf32>
      %max3A_404 = arith.constant 0.000000e+00 : f32
      %max3A_405 = vector.broadcast %max3A_404 : f32 to vector<16xf32>
      %max3A_406 = arith.maximumf %sub3A_403, %max3A_405 : vector<16xf32>
      %add3A_407 = arith.constant 8192 : i32
      %add3A_408 = arith.addi %add3A_407, %mul3A_267 : i32
      %add3A_409 = arith.constant 96 : i32
      %add3A_410 = arith.addi %add3A_408, %add3A_409 : i32
      %get3A_411 = arith.index_cast %add3A_410 : i32 to index
      %get3A_412 = tpu.vector_load %arg4[%get3A_411] {strides = array<i32>} : memref<16384xf32, #tpu.memory_space<vmem>>, vector<16xf32>,
      %sub3A_413 = arith.subf %get3A_412, %div3A_164 : vector<16xf32>
      %max3A_414 = arith.constant 0.000000e+00 : f32
      %max3A_415 = vector.broadcast %max3A_414 : f32 to vector<16xf32>
      %max3A_416 = arith.maximumf %sub3A_413, %max3A_415 : vector<16xf32>
      %add3A_417 = arith.constant 8192 : i32
      %add3A_418 = arith.addi %add3A_417, %mul3A_267 : i32
      %add3A_419 = arith.constant 112 : i32
      %add3A_420 = arith.addi %add3A_418, %add3A_419 : i32
      %get3A_421 = arith.index_cast %add3A_420 : i32 to index
      %get3A_422 = tpu.vector_load %arg4[%get3A_421] {strides = array<i32>} : memref<16384xf32, #tpu.memory_space<vmem>>, vector<16xf32>,
      %sub3A_423 = arith.subf %get3A_422, %div3A_164 : vector<16xf32>
      %max3A_424 = arith.constant 0.000000e+00 : f32
      %max3A_425 = vector.broadcast %max3A_424 : f32 to vector<16xf32>
      %max3A_426 = arith.maximumf %sub3A_423, %max3A_425 : vector<16xf32>
      %add3A_427 = arith.constant 0 : i32
      %add3A_428 = arith.addi %add3A_427, %mul3A_267 : i32
      %add3A_429 = arith.constant 0 : i32
      %add3A_430 = arith.addi %add3A_428, %add3A_429 : i32
      %swap3A = arith.index_cast %add3A_430 : i32 to index
      %swap3A_431 = tpu.vector_load %arg6[%swap3A] {strides = array<i32>} : memref<16384xf32, #tpu.memory_space<vmem>>, vector<16xf32>,
      tpu.vector_store %arg6[%swap3A], %max3A_276 {strides = array<i32>} : memref<16384xf32, #tpu.memory_space<vmem>>, vector<16xf32>,
      %add3A_432 = arith.constant 8192 : i32
      %add3A_433 = arith.addi %add3A_432, %mul3A_267 : i32
      %add3A_434 = arith.constant 0 : i32
      %add3A_435 = arith.addi %add3A_433, %add3A_434 : i32
      %swap3A_436 = arith.index_cast %add3A_435 : i32 to index
      %swap3A_437 = tpu.vector_load %arg6[%swap3A_436] {strides = array<i32>} : memref<16384xf32, #tpu.memory_space<vmem>>, vector<16xf32>,
      tpu.vector_store %arg6[%swap3A_436], %max3A_356 {strides = array<i32>} : memref<16384xf32, #tpu.memory_space<vmem>>, vector<16xf32>,
      %add3A_438 = arith.constant 0 : i32
      %add3A_439 = arith.addi %add3A_438, %mul3A_267 : i32
      %add3A_440 = arith.constant 16 : i32
      %add3A_441 = arith.addi %add3A_439, %add3A_440 : i32
      %swap3A_442 = arith.index_cast %add3A_441 : i32 to index
      %swap3A_443 = tpu.vector_load %arg6[%swap3A_442] {strides = array<i32>} : memref<16384xf32, #tpu.memory_space<vmem>>, vector<16xf32>,
      tpu.vector_store %arg6[%swap3A_442], %max3A_286 {strides = array<i32>} : memref<16384xf32, #tpu.memory_space<vmem>>, vector<16xf32>,
      %add3A_444 = arith.constant 8192 : i32
      %add3A_445 = arith.addi %add3A_444, %mul3A_267 : i32
      %add3A_446 = arith.constant 16 : i32
      %add3A_447 = arith.addi %add3A_445, %add3A_446 : i32
      %swap3A_448 = arith.index_cast %add3A_447 : i32 to index
      %swap3A_449 = tpu.vector_load %arg6[%swap3A_448] {strides = array<i32>} : memref<16384xf32, #tpu.memory_space<vmem>>, vector<16xf32>,
      tpu.vector_store %arg6[%swap3A_448], %max3A_366 {strides = array<i32>} : memref<16384xf32, #tpu.memory_space<vmem>>, vector<16xf32>,
      %add3A_450 = arith.constant 0 : i32
      %add3A_451 = arith.addi %add3A_450, %mul3A_267 : i32
      %add3A_452 = arith.constant 32 : i32
      %add3A_453 = arith.addi %add3A_451, %add3A_452 : i32
      %swap3A_454 = arith.index_cast %add3A_453 : i32 to index
      %swap3A_455 = tpu.vector_load %arg6[%swap3A_454] {strides = array<i32>} : memref<16384xf32, #tpu.memory_space<vmem>>, vector<16xf32>,
      tpu.vector_store %arg6[%swap3A_454], %max3A_296 {strides = array<i32>} : memref<16384xf32, #tpu.memory_space<vmem>>, vector<16xf32>,
      %add3A_456 = arith.constant 8192 : i32
      %add3A_457 = arith.addi %add3A_456, %mul3A_267 : i32
      %add3A_458 = arith.constant 32 : i32
      %add3A_459 = arith.addi %add3A_457, %add3A_458 : i32
      %swap3A_460 = arith.index_cast %add3A_459 : i32 to index
      %swap3A_461 = tpu.vector_load %arg6[%swap3A_460] {strides = array<i32>} : memref<16384xf32, #tpu.memory_space<vmem>>, vector<16xf32>,
      tpu.vector_store %arg6[%swap3A_460], %max3A_376 {strides = array<i32>} : memref<16384xf32, #tpu.memory_space<vmem>>, vector<16xf32>,
      %add3A_462 = arith.constant 0 : i32
      %add3A_463 = arith.addi %add3A_462, %mul3A_267 : i32
      %add3A_464 = arith.constant 48 : i32
      %add3A_465 = arith.addi %add3A_463, %add3A_464 : i32
      %swap3A_466 = arith.index_cast %add3A_465 : i32 to index
      %swap3A_467 = tpu.vector_load %arg6[%swap3A_466] {strides = array<i32>} : memref<16384xf32, #tpu.memory_space<vmem>>, vector<16xf32>,
      tpu.vector_store %arg6[%swap3A_466], %max3A_306 {strides = array<i32>} : memref<16384xf32, #tpu.memory_space<vmem>>, vector<16xf32>,
      %add3A_468 = arith.constant 8192 : i32
      %add3A_469 = arith.addi %add3A_468, %mul3A_267 : i32
      %add3A_470 = arith.constant 48 : i32
      %add3A_471 = arith.addi %add3A_469, %add3A_470 : i32
      %swap3A_472 = arith.index_cast %add3A_471 : i32 to index
      %swap3A_473 = tpu.vector_load %arg6[%swap3A_472] {strides = array<i32>} : memref<16384xf32, #tpu.memory_space<vmem>>, vector<16xf32>,
      tpu.vector_store %arg6[%swap3A_472], %max3A_386 {strides = array<i32>} : memref<16384xf32, #tpu.memory_space<vmem>>, vector<16xf32>,
      %add3A_474 = arith.constant 0 : i32
      %add3A_475 = arith.addi %add3A_474, %mul3A_267 : i32
      %add3A_476 = arith.constant 64 : i32
      %add3A_477 = arith.addi %add3A_475, %add3A_476 : i32
      %swap3A_478 = arith.index_cast %add3A_477 : i32 to index
      %swap3A_479 = tpu.vector_load %arg6[%swap3A_478] {strides = array<i32>} : memref<16384xf32, #tpu.memory_space<vmem>>, vector<16xf32>,
      tpu.vector_store %arg6[%swap3A_478], %max3A_316 {strides = array<i32>} : memref<16384xf32, #tpu.memory_space<vmem>>, vector<16xf32>,
      %add3A_480 = arith.constant 8192 : i32
      %add3A_481 = arith.addi %add3A_480, %mul3A_267 : i32
      %add3A_482 = arith.constant 64 : i32
      %add3A_483 = arith.addi %add3A_481, %add3A_482 : i32
      %swap3A_484 = arith.index_cast %add3A_483 : i32 to index
      %swap3A_485 = tpu.vector_load %arg6[%swap3A_484] {strides = array<i32>} : memref<16384xf32, #tpu.memory_space<vmem>>, vector<16xf32>,
      tpu.vector_store %arg6[%swap3A_484], %max3A_396 {strides = array<i32>} : memref<16384xf32, #tpu.memory_space<vmem>>, vector<16xf32>,
      %add3A_486 = arith.constant 0 : i32
      %add3A_487 = arith.addi %add3A_486, %mul3A_267 : i32
      %add3A_488 = arith.constant 80 : i32
      %add3A_489 = arith.addi %add3A_487, %add3A_488 : i32
      %swap3A_490 = arith.index_cast %add3A_489 : i32 to index
      %swap3A_491 = tpu.vector_load %arg6[%swap3A_490] {strides = array<i32>} : memref<16384xf32, #tpu.memory_space<vmem>>, vector<16xf32>,
      tpu.vector_store %arg6[%swap3A_490], %max3A_326 {strides = array<i32>} : memref<16384xf32, #tpu.memory_space<vmem>>, vector<16xf32>,
      %add3A_492 = arith.constant 8192 : i32
      %add3A_493 = arith.addi %add3A_492, %mul3A_267 : i32
      %add3A_494 = arith.constant 80 : i32
      %add3A_495 = arith.addi %add3A_493, %add3A_494 : i32
      %swap3A_496 = arith.index_cast %add3A_495 : i32 to index
      %swap3A_497 = tpu.vector_load %arg6[%swap3A_496] {strides = array<i32>} : memref<16384xf32, #tpu.memory_space<vmem>>, vector<16xf32>,
      tpu.vector_store %arg6[%swap3A_496], %max3A_406 {strides = array<i32>} : memref<16384xf32, #tpu.memory_space<vmem>>, vector<16xf32>,
      %add3A_498 = arith.constant 0 : i32
      %add3A_499 = arith.addi %add3A_498, %mul3A_267 : i32
      %add3A_500 = arith.constant 96 : i32
      %add3A_501 = arith.addi %add3A_499, %add3A_500 : i32
      %swap3A_502 = arith.index_cast %add3A_501 : i32 to index
      %swap3A_503 = tpu.vector_load %arg6[%swap3A_502] {strides = array<i32>} : memref<16384xf32, #tpu.memory_space<vmem>>, vector<16xf32>,
      tpu.vector_store %arg6[%swap3A_502], %max3A_336 {strides = array<i32>} : memref<16384xf32, #tpu.memory_space<vmem>>, vector<16xf32>,
      %add3A_504 = arith.constant 8192 : i32
      %add3A_505 = arith.addi %add3A_504, %mul3A_267 : i32
      %add3A_506 = arith.constant 96 : i32
      %add3A_507 = arith.addi %add3A_505, %add3A_506 : i32
      %swap3A_508 = arith.index_cast %add3A_507 : i32 to index
      %swap3A_509 = tpu.vector_load %arg6[%swap3A_508] {strides = array<i32>} : memref<16384xf32, #tpu.memory_space<vmem>>, vector<16xf32>,
      tpu.vector_store %arg6[%swap3A_508], %max3A_416 {strides = array<i32>} : memref<16384xf32, #tpu.memory_space<vmem>>, vector<16xf32>,
      %add3A_510 = arith.constant 0 : i32
      %add3A_511 = arith.addi %add3A_510, %mul3A_267 : i32
      %add3A_512 = arith.constant 112 : i32
      %add3A_513 = arith.addi %add3A_511, %add3A_512 : i32
      %swap3A_514 = arith.index_cast %add3A_513 : i32 to index
      %swap3A_515 = tpu.vector_load %arg6[%swap3A_514] {strides = array<i32>} : memref<16384xf32, #tpu.memory_space<vmem>>, vector<16xf32>,
      tpu.vector_store %arg6[%swap3A_514], %max3A_346 {strides = array<i32>} : memref<16384xf32, #tpu.memory_space<vmem>>, vector<16xf32>,
      %add3A_516 = arith.constant 8192 : i32
      %add3A_517 = arith.addi %add3A_516, %mul3A_267 : i32
      %add3A_518 = arith.constant 112 : i32
      %add3A_519 = arith.addi %add3A_517, %add3A_518 : i32
      %swap3A_520 = arith.index_cast %add3A_519 : i32 to index
      %swap3A_521 = tpu.vector_load %arg6[%swap3A_520] {strides = array<i32>} : memref<16384xf32, #tpu.memory_space<vmem>>, vector<16xf32>,
      tpu.vector_store %arg6[%swap3A_520], %max3A_426 {strides = array<i32>} : memref<16384xf32, #tpu.memory_space<vmem>>, vector<16xf32>,
    }
    %scan3A_170 = arith.constant 32 : i32
    %add3A_171 = arith.constant 0 : i32
    %add3A_172 = arith.addi %mul3A_2, %add3A_171 : i32
    %dma_start3A_173 = arith.constant 0 : i32
    %dma_start3A_174 = tpu.memref_slice %arg6[%dma_start3A_173] : memref<16384xf32, #tpu.memory_space<vmem>> -> memref<4096xf32, #tpu.memory_space<vmem>>
    %dma_start3A_175 = arith.constant 0 : i32
    %dma_start3A_176 = tpu.memref_slice %arg3[%add3A_172, %dma_start3A_175] : memref<64x8192xf32, #tpu.memory_space<hbm>> -> memref<1x4096xf32, #tpu.memory_space<hbm>>
    %dma_start3A_177 = tpu.memref_squeeze %dma_start3A_176 : memref<1x4096xf32, #tpu.memory_space<hbm>> -> memref<4096xf32, #tpu.memory_space<hbm>>
    %dma_start3A_178 = arith.constant 0 : i32
    %dma_start3A_179 = tpu.memref_slice %arg3[%add3A_172, %dma_start3A_178] : memref<64x8192xf32, #tpu.memory_space<hbm>> -> memref<1x4096xf32, #tpu.memory_space<hbm>>
    %dma_start3A_180 = tpu.memref_squeeze %dma_start3A_179 : memref<1x4096xf32, #tpu.memory_space<hbm>> -> memref<4096xf32, #tpu.memory_space<hbm>>
    %dma_start3A_181 = arith.constant 0 : i32
    %dma_start3A_182 = tpu.memref_slice %arg6[%dma_start3A_181] : memref<16384xf32, #tpu.memory_space<vmem>> -> memref<4096xf32, #tpu.memory_space<vmem>>
    tpu.enqueue_dma source(%dma_start3A_182 : memref<4096xf32, #tpu.memory_space<vmem>>) target(%dma_start3A_180 : memref<4096xf32, #tpu.memory_space<hbm>>) target_semaphore(%arg11 : memref<!tpu.dma_semaphore, #tpu.memory_space<semaphore_mem>>)
    %add3A_183 = arith.constant 1 : i32
    %add3A_184 = arith.addi %mul3A_2, %add3A_183 : i32
    %dma_start3A_185 = arith.constant 8192 : i32
    %dma_start3A_186 = tpu.memref_slice %arg6[%dma_start3A_185] : memref<16384xf32, #tpu.memory_space<vmem>> -> memref<4096xf32, #tpu.memory_space<vmem>>
    %dma_start3A_187 = arith.constant 0 : i32
    %dma_start3A_188 = tpu.memref_slice %arg3[%add3A_184, %dma_start3A_187] : memref<64x8192xf32, #tpu.memory_space<hbm>> -> memref<1x4096xf32, #tpu.memory_space<hbm>>
    %dma_start3A_189 = tpu.memref_squeeze %dma_start3A_188 : memref<1x4096xf32, #tpu.memory_space<hbm>> -> memref<4096xf32, #tpu.memory_space<hbm>>
    %dma_start3A_190 = arith.constant 0 : i32
    %dma_start3A_191 = tpu.memref_slice %arg3[%add3A_184, %dma_start3A_190] : memref<64x8192xf32, #tpu.memory_space<hbm>> -> memref<1x4096xf32, #tpu.memory_space<hbm>>
    %dma_start3A_192 = tpu.memref_squeeze %dma_start3A_191 : memref<1x4096xf32, #tpu.memory_space<hbm>> -> memref<4096xf32, #tpu.memory_space<hbm>>
    %dma_start3A_193 = arith.constant 8192 : i32
    %dma_start3A_194 = tpu.memref_slice %arg6[%dma_start3A_193] : memref<16384xf32, #tpu.memory_space<vmem>> -> memref<4096xf32, #tpu.memory_space<vmem>>
    tpu.enqueue_dma source(%dma_start3A_194 : memref<4096xf32, #tpu.memory_space<vmem>>) target(%dma_start3A_192 : memref<4096xf32, #tpu.memory_space<hbm>>) target_semaphore(%arg12 : memref<!tpu.dma_semaphore, #tpu.memory_space<semaphore_mem>>)
    %scan3A_195 = arith.constant 0 : i32
    %scan3A_196 = arith.constant 32 : i32
    %scan3A_197 = arith.constant 32 : i32
    %scan3A_198 = arith.addi %scan3A_196, %scan3A_197 : i32
    %scan3A_199 = arith.constant 1 : i32
    scf.for %scan3A_265 = %scan3A_196 to %scan3A_198 step %scan3A_199  : i32 {
      %mul3A_266 = arith.constant 128 : i32
      %mul3A_267 = arith.muli %scan3A_265, %mul3A_266 : i32
      %add3A_268 = arith.constant 0 : i32
      %add3A_269 = arith.addi %add3A_268, %mul3A_267 : i32
      %add3A_270 = arith.constant 0 : i32
      %add3A_271 = arith.addi %add3A_269, %add3A_270 : i32
      %get3A = arith.index_cast %add3A_271 : i32 to index
      %get3A_272 = tpu.vector_load %arg4[%get3A] {strides = array<i32>} : memref<16384xf32, #tpu.memory_space<vmem>>, vector<16xf32>,
      %sub3A_273 = arith.subf %get3A_272, %div3A : vector<16xf32>
      %max3A_274 = arith.constant 0.000000e+00 : f32
      %max3A_275 = vector.broadcast %max3A_274 : f32 to vector<16xf32>
      %max3A_276 = arith.maximumf %sub3A_273, %max3A_275 : vector<16xf32>
      %add3A_277 = arith.constant 0 : i32
      %add3A_278 = arith.addi %add3A_277, %mul3A_267 : i32
      %add3A_279 = arith.constant 16 : i32
      %add3A_280 = arith.addi %add3A_278, %add3A_279 : i32
      %get3A_281 = arith.index_cast %add3A_280 : i32 to index
      %get3A_282 = tpu.vector_load %arg4[%get3A_281] {strides = array<i32>} : memref<16384xf32, #tpu.memory_space<vmem>>, vector<16xf32>,
      %sub3A_283 = arith.subf %get3A_282, %div3A : vector<16xf32>
      %max3A_284 = arith.constant 0.000000e+00 : f32
      %max3A_285 = vector.broadcast %max3A_284 : f32 to vector<16xf32>
      %max3A_286 = arith.maximumf %sub3A_283, %max3A_285 : vector<16xf32>
      %add3A_287 = arith.constant 0 : i32
      %add3A_288 = arith.addi %add3A_287, %mul3A_267 : i32
      %add3A_289 = arith.constant 32 : i32
      %add3A_290 = arith.addi %add3A_288, %add3A_289 : i32
      %get3A_291 = arith.index_cast %add3A_290 : i32 to index
      %get3A_292 = tpu.vector_load %arg4[%get3A_291] {strides = array<i32>} : memref<16384xf32, #tpu.memory_space<vmem>>, vector<16xf32>,
      %sub3A_293 = arith.subf %get3A_292, %div3A : vector<16xf32>
      %max3A_294 = arith.constant 0.000000e+00 : f32
      %max3A_295 = vector.broadcast %max3A_294 : f32 to vector<16xf32>
      %max3A_296 = arith.maximumf %sub3A_293, %max3A_295 : vector<16xf32>
      %add3A_297 = arith.constant 0 : i32
      %add3A_298 = arith.addi %add3A_297, %mul3A_267 : i32
      %add3A_299 = arith.constant 48 : i32
      %add3A_300 = arith.addi %add3A_298, %add3A_299 : i32
      %get3A_301 = arith.index_cast %add3A_300 : i32 to index
      %get3A_302 = tpu.vector_load %arg4[%get3A_301] {strides = array<i32>} : memref<16384xf32, #tpu.memory_space<vmem>>, vector<16xf32>,
      %sub3A_303 = arith.subf %get3A_302, %div3A : vector<16xf32>
      %max3A_304 = arith.constant 0.000000e+00 : f32
      %max3A_305 = vector.broadcast %max3A_304 : f32 to vector<16xf32>
      %max3A_306 = arith.maximumf %sub3A_303, %max3A_305 : vector<16xf32>
      %add3A_307 = arith.constant 0 : i32
      %add3A_308 = arith.addi %add3A_307, %mul3A_267 : i32
      %add3A_309 = arith.constant 64 : i32
      %add3A_310 = arith.addi %add3A_308, %add3A_309 : i32
      %get3A_311 = arith.index_cast %add3A_310 : i32 to index
      %get3A_312 = tpu.vector_load %arg4[%get3A_311] {strides = array<i32>} : memref<16384xf32, #tpu.memory_space<vmem>>, vector<16xf32>,
      %sub3A_313 = arith.subf %get3A_312, %div3A : vector<16xf32>
      %max3A_314 = arith.constant 0.000000e+00 : f32
      %max3A_315 = vector.broadcast %max3A_314 : f32 to vector<16xf32>
      %max3A_316 = arith.maximumf %sub3A_313, %max3A_315 : vector<16xf32>
      %add3A_317 = arith.constant 0 : i32
      %add3A_318 = arith.addi %add3A_317, %mul3A_267 : i32
      %add3A_319 = arith.constant 80 : i32
      %add3A_320 = arith.addi %add3A_318, %add3A_319 : i32
      %get3A_321 = arith.index_cast %add3A_320 : i32 to index
      %get3A_322 = tpu.vector_load %arg4[%get3A_321] {strides = array<i32>} : memref<16384xf32, #tpu.memory_space<vmem>>, vector<16xf32>,
      %sub3A_323 = arith.subf %get3A_322, %div3A : vector<16xf32>
      %max3A_324 = arith.constant 0.000000e+00 : f32
      %max3A_325 = vector.broadcast %max3A_324 : f32 to vector<16xf32>
      %max3A_326 = arith.maximumf %sub3A_323, %max3A_325 : vector<16xf32>
      %add3A_327 = arith.constant 0 : i32
      %add3A_328 = arith.addi %add3A_327, %mul3A_267 : i32
      %add3A_329 = arith.constant 96 : i32
      %add3A_330 = arith.addi %add3A_328, %add3A_329 : i32
      %get3A_331 = arith.index_cast %add3A_330 : i32 to index
      %get3A_332 = tpu.vector_load %arg4[%get3A_331] {strides = array<i32>} : memref<16384xf32, #tpu.memory_space<vmem>>, vector<16xf32>,
      %sub3A_333 = arith.subf %get3A_332, %div3A : vector<16xf32>
      %max3A_334 = arith.constant 0.000000e+00 : f32
      %max3A_335 = vector.broadcast %max3A_334 : f32 to vector<16xf32>
      %max3A_336 = arith.maximumf %sub3A_333, %max3A_335 : vector<16xf32>
      %add3A_337 = arith.constant 0 : i32
      %add3A_338 = arith.addi %add3A_337, %mul3A_267 : i32
      %add3A_339 = arith.constant 112 : i32
      %add3A_340 = arith.addi %add3A_338, %add3A_339 : i32
      %get3A_341 = arith.index_cast %add3A_340 : i32 to index
      %get3A_342 = tpu.vector_load %arg4[%get3A_341] {strides = array<i32>} : memref<16384xf32, #tpu.memory_space<vmem>>, vector<16xf32>,
      %sub3A_343 = arith.subf %get3A_342, %div3A : vector<16xf32>
      %max3A_344 = arith.constant 0.000000e+00 : f32
      %max3A_345 = vector.broadcast %max3A_344 : f32 to vector<16xf32>
      %max3A_346 = arith.maximumf %sub3A_343, %max3A_345 : vector<16xf32>
      %add3A_347 = arith.constant 8192 : i32
      %add3A_348 = arith.addi %add3A_347, %mul3A_267 : i32
      %add3A_349 = arith.constant 0 : i32
      %add3A_350 = arith.addi %add3A_348, %add3A_349 : i32
      %get3A_351 = arith.index_cast %add3A_350 : i32 to index
      %get3A_352 = tpu.vector_load %arg4[%get3A_351] {strides = array<i32>} : memref<16384xf32, #tpu.memory_space<vmem>>, vector<16xf32>,
      %sub3A_353 = arith.subf %get3A_352, %div3A_164 : vector<16xf32>
      %max3A_354 = arith.constant 0.000000e+00 : f32
      %max3A_355 = vector.broadcast %max3A_354 : f32 to vector<16xf32>
      %max3A_356 = arith.maximumf %sub3A_353, %max3A_355 : vector<16xf32>
      %add3A_357 = arith.constant 8192 : i32
      %add3A_358 = arith.addi %add3A_357, %mul3A_267 : i32
      %add3A_359 = arith.constant 16 : i32
      %add3A_360 = arith.addi %add3A_358, %add3A_359 : i32
      %get3A_361 = arith.index_cast %add3A_360 : i32 to index
      %get3A_362 = tpu.vector_load %arg4[%get3A_361] {strides = array<i32>} : memref<16384xf32, #tpu.memory_space<vmem>>, vector<16xf32>,
      %sub3A_363 = arith.subf %get3A_362, %div3A_164 : vector<16xf32>
      %max3A_364 = arith.constant 0.000000e+00 : f32
      %max3A_365 = vector.broadcast %max3A_364 : f32 to vector<16xf32>
      %max3A_366 = arith.maximumf %sub3A_363, %max3A_365 : vector<16xf32>
      %add3A_367 = arith.constant 8192 : i32
      %add3A_368 = arith.addi %add3A_367, %mul3A_267 : i32
      %add3A_369 = arith.constant 32 : i32
      %add3A_370 = arith.addi %add3A_368, %add3A_369 : i32
      %get3A_371 = arith.index_cast %add3A_370 : i32 to index
      %get3A_372 = tpu.vector_load %arg4[%get3A_371] {strides = array<i32>} : memref<16384xf32, #tpu.memory_space<vmem>>, vector<16xf32>,
      %sub3A_373 = arith.subf %get3A_372, %div3A_164 : vector<16xf32>
      %max3A_374 = arith.constant 0.000000e+00 : f32
      %max3A_375 = vector.broadcast %max3A_374 : f32 to vector<16xf32>
      %max3A_376 = arith.maximumf %sub3A_373, %max3A_375 : vector<16xf32>
      %add3A_377 = arith.constant 8192 : i32
      %add3A_378 = arith.addi %add3A_377, %mul3A_267 : i32
      %add3A_379 = arith.constant 48 : i32
      %add3A_380 = arith.addi %add3A_378, %add3A_379 : i32
      %get3A_381 = arith.index_cast %add3A_380 : i32 to index
      %get3A_382 = tpu.vector_load %arg4[%get3A_381] {strides = array<i32>} : memref<16384xf32, #tpu.memory_space<vmem>>, vector<16xf32>,
      %sub3A_383 = arith.subf %get3A_382, %div3A_164 : vector<16xf32>
      %max3A_384 = arith.constant 0.000000e+00 : f32
      %max3A_385 = vector.broadcast %max3A_384 : f32 to vector<16xf32>
      %max3A_386 = arith.maximumf %sub3A_383, %max3A_385 : vector<16xf32>
      %add3A_387 = arith.constant 8192 : i32
      %add3A_388 = arith.addi %add3A_387, %mul3A_267 : i32
      %add3A_389 = arith.constant 64 : i32
      %add3A_390 = arith.addi %add3A_388, %add3A_389 : i32
      %get3A_391 = arith.index_cast %add3A_390 : i32 to index
      %get3A_392 = tpu.vector_load %arg4[%get3A_391] {strides = array<i32>} : memref<16384xf32, #tpu.memory_space<vmem>>, vector<16xf32>,
      %sub3A_393 = arith.subf %get3A_392, %div3A_164 : vector<16xf32>
      %max3A_394 = arith.constant 0.000000e+00 : f32
      %max3A_395 = vector.broadcast %max3A_394 : f32 to vector<16xf32>
      %max3A_396 = arith.maximumf %sub3A_393, %max3A_395 : vector<16xf32>
      %add3A_397 = arith.constant 8192 : i32
      %add3A_398 = arith.addi %add3A_397, %mul3A_267 : i32
      %add3A_399 = arith.constant 80 : i32
      %add3A_400 = arith.addi %add3A_398, %add3A_399 : i32
      %get3A_401 = arith.index_cast %add3A_400 : i32 to index
      %get3A_402 = tpu.vector_load %arg4[%get3A_401] {strides = array<i32>} : memref<16384xf32, #tpu.memory_space<vmem>>, vector<16xf32>,
      %sub3A_403 = arith.subf %get3A_402, %div3A_164 : vector<16xf32>
      %max3A_404 = arith.constant 0.000000e+00 : f32
      %max3A_405 = vector.broadcast %max3A_404 : f32 to vector<16xf32>
      %max3A_406 = arith.maximumf %sub3A_403, %max3A_405 : vector<16xf32>
      %add3A_407 = arith.constant 8192 : i32
      %add3A_408 = arith.addi %add3A_407, %mul3A_267 : i32
      %add3A_409 = arith.constant 96 : i32
      %add3A_410 = arith.addi %add3A_408, %add3A_409 : i32
      %get3A_411 = arith.index_cast %add3A_410 : i32 to index
      %get3A_412 = tpu.vector_load %arg4[%get3A_411] {strides = array<i32>} : memref<16384xf32, #tpu.memory_space<vmem>>, vector<16xf32>,
      %sub3A_413 = arith.subf %get3A_412, %div3A_164 : vector<16xf32>
      %max3A_414 = arith.constant 0.000000e+00 : f32
      %max3A_415 = vector.broadcast %max3A_414 : f32 to vector<16xf32>
      %max3A_416 = arith.maximumf %sub3A_413, %max3A_415 : vector<16xf32>
      %add3A_417 = arith.constant 8192 : i32
      %add3A_418 = arith.addi %add3A_417, %mul3A_267 : i32
      %add3A_419 = arith.constant 112 : i32
      %add3A_420 = arith.addi %add3A_418, %add3A_419 : i32
      %get3A_421 = arith.index_cast %add3A_420 : i32 to index
      %get3A_422 = tpu.vector_load %arg4[%get3A_421] {strides = array<i32>} : memref<16384xf32, #tpu.memory_space<vmem>>, vector<16xf32>,
      %sub3A_423 = arith.subf %get3A_422, %div3A_164 : vector<16xf32>
      %max3A_424 = arith.constant 0.000000e+00 : f32
      %max3A_425 = vector.broadcast %max3A_424 : f32 to vector<16xf32>
      %max3A_426 = arith.maximumf %sub3A_423, %max3A_425 : vector<16xf32>
      %add3A_427 = arith.constant 0 : i32
      %add3A_428 = arith.addi %add3A_427, %mul3A_267 : i32
      %add3A_429 = arith.constant 0 : i32
      %add3A_430 = arith.addi %add3A_428, %add3A_429 : i32
      %swap3A = arith.index_cast %add3A_430 : i32 to index
      %swap3A_431 = tpu.vector_load %arg6[%swap3A] {strides = array<i32>} : memref<16384xf32, #tpu.memory_space<vmem>>, vector<16xf32>,
      tpu.vector_store %arg6[%swap3A], %max3A_276 {strides = array<i32>} : memref<16384xf32, #tpu.memory_space<vmem>>, vector<16xf32>,
      %add3A_432 = arith.constant 8192 : i32
      %add3A_433 = arith.addi %add3A_432, %mul3A_267 : i32
      %add3A_434 = arith.constant 0 : i32
      %add3A_435 = arith.addi %add3A_433, %add3A_434 : i32
      %swap3A_436 = arith.index_cast %add3A_435 : i32 to index
      %swap3A_437 = tpu.vector_load %arg6[%swap3A_436] {strides = array<i32>} : memref<16384xf32, #tpu.memory_space<vmem>>, vector<16xf32>,
      tpu.vector_store %arg6[%swap3A_436], %max3A_356 {strides = array<i32>} : memref<16384xf32, #tpu.memory_space<vmem>>, vector<16xf32>,
      %add3A_438 = arith.constant 0 : i32
      %add3A_439 = arith.addi %add3A_438, %mul3A_267 : i32
      %add3A_440 = arith.constant 16 : i32
      %add3A_441 = arith.addi %add3A_439, %add3A_440 : i32
      %swap3A_442 = arith.index_cast %add3A_441 : i32 to index
      %swap3A_443 = tpu.vector_load %arg6[%swap3A_442] {strides = array<i32>} : memref<16384xf32, #tpu.memory_space<vmem>>, vector<16xf32>,
      tpu.vector_store %arg6[%swap3A_442], %max3A_286 {strides = array<i32>} : memref<16384xf32, #tpu.memory_space<vmem>>, vector<16xf32>,
      %add3A_444 = arith.constant 8192 : i32
      %add3A_445 = arith.addi %add3A_444, %mul3A_267 : i32
      %add3A_446 = arith.constant 16 : i32
      %add3A_447 = arith.addi %add3A_445, %add3A_446 : i32
      %swap3A_448 = arith.index_cast %add3A_447 : i32 to index
      %swap3A_449 = tpu.vector_load %arg6[%swap3A_448] {strides = array<i32>} : memref<16384xf32, #tpu.memory_space<vmem>>, vector<16xf32>,
      tpu.vector_store %arg6[%swap3A_448], %max3A_366 {strides = array<i32>} : memref<16384xf32, #tpu.memory_space<vmem>>, vector<16xf32>,
      %add3A_450 = arith.constant 0 : i32
      %add3A_451 = arith.addi %add3A_450, %mul3A_267 : i32
      %add3A_452 = arith.constant 32 : i32
      %add3A_453 = arith.addi %add3A_451, %add3A_452 : i32
      %swap3A_454 = arith.index_cast %add3A_453 : i32 to index
      %swap3A_455 = tpu.vector_load %arg6[%swap3A_454] {strides = array<i32>} : memref<16384xf32, #tpu.memory_space<vmem>>, vector<16xf32>,
      tpu.vector_store %arg6[%swap3A_454], %max3A_296 {strides = array<i32>} : memref<16384xf32, #tpu.memory_space<vmem>>, vector<16xf32>,
      %add3A_456 = arith.constant 8192 : i32
      %add3A_457 = arith.addi %add3A_456, %mul3A_267 : i32
      %add3A_458 = arith.constant 32 : i32
      %add3A_459 = arith.addi %add3A_457, %add3A_458 : i32
      %swap3A_460 = arith.index_cast %add3A_459 : i32 to index
      %swap3A_461 = tpu.vector_load %arg6[%swap3A_460] {strides = array<i32>} : memref<16384xf32, #tpu.memory_space<vmem>>, vector<16xf32>,
      tpu.vector_store %arg6[%swap3A_460], %max3A_376 {strides = array<i32>} : memref<16384xf32, #tpu.memory_space<vmem>>, vector<16xf32>,
      %add3A_462 = arith.constant 0 : i32
      %add3A_463 = arith.addi %add3A_462, %mul3A_267 : i32
      %add3A_464 = arith.constant 48 : i32
      %add3A_465 = arith.addi %add3A_463, %add3A_464 : i32
      %swap3A_466 = arith.index_cast %add3A_465 : i32 to index
      %swap3A_467 = tpu.vector_load %arg6[%swap3A_466] {strides = array<i32>} : memref<16384xf32, #tpu.memory_space<vmem>>, vector<16xf32>,
      tpu.vector_store %arg6[%swap3A_466], %max3A_306 {strides = array<i32>} : memref<16384xf32, #tpu.memory_space<vmem>>, vector<16xf32>,
      %add3A_468 = arith.constant 8192 : i32
      %add3A_469 = arith.addi %add3A_468, %mul3A_267 : i32
      %add3A_470 = arith.constant 48 : i32
      %add3A_471 = arith.addi %add3A_469, %add3A_470 : i32
      %swap3A_472 = arith.index_cast %add3A_471 : i32 to index
      %swap3A_473 = tpu.vector_load %arg6[%swap3A_472] {strides = array<i32>} : memref<16384xf32, #tpu.memory_space<vmem>>, vector<16xf32>,
      tpu.vector_store %arg6[%swap3A_472], %max3A_386 {strides = array<i32>} : memref<16384xf32, #tpu.memory_space<vmem>>, vector<16xf32>,
      %add3A_474 = arith.constant 0 : i32
      %add3A_475 = arith.addi %add3A_474, %mul3A_267 : i32
      %add3A_476 = arith.constant 64 : i32
      %add3A_477 = arith.addi %add3A_475, %add3A_476 : i32
      %swap3A_478 = arith.index_cast %add3A_477 : i32 to index
      %swap3A_479 = tpu.vector_load %arg6[%swap3A_478] {strides = array<i32>} : memref<16384xf32, #tpu.memory_space<vmem>>, vector<16xf32>,
      tpu.vector_store %arg6[%swap3A_478], %max3A_316 {strides = array<i32>} : memref<16384xf32, #tpu.memory_space<vmem>>, vector<16xf32>,
      %add3A_480 = arith.constant 8192 : i32
      %add3A_481 = arith.addi %add3A_480, %mul3A_267 : i32
      %add3A_482 = arith.constant 64 : i32
      %add3A_483 = arith.addi %add3A_481, %add3A_482 : i32
      %swap3A_484 = arith.index_cast %add3A_483 : i32 to index
      %swap3A_485 = tpu.vector_load %arg6[%swap3A_484] {strides = array<i32>} : memref<16384xf32, #tpu.memory_space<vmem>>, vector<16xf32>,
      tpu.vector_store %arg6[%swap3A_484], %max3A_396 {strides = array<i32>} : memref<16384xf32, #tpu.memory_space<vmem>>, vector<16xf32>,
      %add3A_486 = arith.constant 0 : i32
      %add3A_487 = arith.addi %add3A_486, %mul3A_267 : i32
      %add3A_488 = arith.constant 80 : i32
      %add3A_489 = arith.addi %add3A_487, %add3A_488 : i32
      %swap3A_490 = arith.index_cast %add3A_489 : i32 to index
      %swap3A_491 = tpu.vector_load %arg6[%swap3A_490] {strides = array<i32>} : memref<16384xf32, #tpu.memory_space<vmem>>, vector<16xf32>,
      tpu.vector_store %arg6[%swap3A_490], %max3A_326 {strides = array<i32>} : memref<16384xf32, #tpu.memory_space<vmem>>, vector<16xf32>,
      %add3A_492 = arith.constant 8192 : i32
      %add3A_493 = arith.addi %add3A_492, %mul3A_267 : i32
      %add3A_494 = arith.constant 80 : i32
      %add3A_495 = arith.addi %add3A_493, %add3A_494 : i32
      %swap3A_496 = arith.index_cast %add3A_495 : i32 to index
      %swap3A_497 = tpu.vector_load %arg6[%swap3A_496] {strides = array<i32>} : memref<16384xf32, #tpu.memory_space<vmem>>, vector<16xf32>,
      tpu.vector_store %arg6[%swap3A_496], %max3A_406 {strides = array<i32>} : memref<16384xf32, #tpu.memory_space<vmem>>, vector<16xf32>,
      %add3A_498 = arith.constant 0 : i32
      %add3A_499 = arith.addi %add3A_498, %mul3A_267 : i32
      %add3A_500 = arith.constant 96 : i32
      %add3A_501 = arith.addi %add3A_499, %add3A_500 : i32
      %swap3A_502 = arith.index_cast %add3A_501 : i32 to index
      %swap3A_503 = tpu.vector_load %arg6[%swap3A_502] {strides = array<i32>} : memref<16384xf32, #tpu.memory_space<vmem>>, vector<16xf32>,
      tpu.vector_store %arg6[%swap3A_502], %max3A_336 {strides = array<i32>} : memref<16384xf32, #tpu.memory_space<vmem>>, vector<16xf32>,
      %add3A_504 = arith.constant 8192 : i32
      %add3A_505 = arith.addi %add3A_504, %mul3A_267 : i32
      %add3A_506 = arith.constant 96 : i32
      %add3A_507 = arith.addi %add3A_505, %add3A_506 : i32
      %swap3A_508 = arith.index_cast %add3A_507 : i32 to index
      %swap3A_509 = tpu.vector_load %arg6[%swap3A_508] {strides = array<i32>} : memref<16384xf32, #tpu.memory_space<vmem>>, vector<16xf32>,
      tpu.vector_store %arg6[%swap3A_508], %max3A_416 {strides = array<i32>} : memref<16384xf32, #tpu.memory_space<vmem>>, vector<16xf32>,
      %add3A_510 = arith.constant 0 : i32
      %add3A_511 = arith.addi %add3A_510, %mul3A_267 : i32
      %add3A_512 = arith.constant 112 : i32
      %add3A_513 = arith.addi %add3A_511, %add3A_512 : i32
      %swap3A_514 = arith.index_cast %add3A_513 : i32 to index
      %swap3A_515 = tpu.vector_load %arg6[%swap3A_514] {strides = array<i32>} : memref<16384xf32, #tpu.memory_space<vmem>>, vector<16xf32>,
      tpu.vector_store %arg6[%swap3A_514], %max3A_346 {strides = array<i32>} : memref<16384xf32, #tpu.memory_space<vmem>>, vector<16xf32>,
      %add3A_516 = arith.constant 8192 : i32
      %add3A_517 = arith.addi %add3A_516, %mul3A_267 : i32
      %add3A_518 = arith.constant 112 : i32
      %add3A_519 = arith.addi %add3A_517, %add3A_518 : i32
      %swap3A_520 = arith.index_cast %add3A_519 : i32 to index
      %swap3A_521 = tpu.vector_load %arg6[%swap3A_520] {strides = array<i32>} : memref<16384xf32, #tpu.memory_space<vmem>>, vector<16xf32>,
      tpu.vector_store %arg6[%swap3A_520], %max3A_426 {strides = array<i32>} : memref<16384xf32, #tpu.memory_space<vmem>>, vector<16xf32>,
    }
    %scan3A_200 = arith.constant 32 : i32
    %add3A_201 = arith.constant 0 : i32
    %add3A_202 = arith.addi %mul3A_2, %add3A_201 : i32
    %dma_start3A_203 = arith.constant 4096 : i32
    %dma_start3A_204 = tpu.memref_slice %arg6[%dma_start3A_203] : memref<16384xf32, #tpu.memory_space<vmem>> -> memref<4096xf32, #tpu.memory_space<vmem>>
    %dma_start3A_205 = arith.constant 4096 : i32
    %dma_start3A_206 = tpu.memref_slice %arg3[%add3A_202, %dma_start3A_205] : memref<64x8192xf32, #tpu.memory_space<hbm>> -> memref<1x4096xf32, #tpu.memory_space<hbm>>
    %dma_start3A_207 = tpu.memref_squeeze %dma_start3A_206 : memref<1x4096xf32, #tpu.memory_space<hbm>> -> memref<4096xf32, #tpu.memory_space<hbm>>
    %dma_start3A_208 = arith.constant 4096 : i32
    %dma_start3A_209 = tpu.memref_slice %arg3[%add3A_202, %dma_start3A_208] : memref<64x8192xf32, #tpu.memory_space<hbm>> -> memref<1x4096xf32, #tpu.memory_space<hbm>>
    %dma_start3A_210 = tpu.memref_squeeze %dma_start3A_209 : memref<1x4096xf32, #tpu.memory_space<hbm>> -> memref<4096xf32, #tpu.memory_space<hbm>>
    %dma_start3A_211 = arith.constant 4096 : i32
    %dma_start3A_212 = tpu.memref_slice %arg6[%dma_start3A_211] : memref<16384xf32, #tpu.memory_space<vmem>> -> memref<4096xf32, #tpu.memory_space<vmem>>
    tpu.enqueue_dma source(%dma_start3A_212 : memref<4096xf32, #tpu.memory_space<vmem>>) target(%dma_start3A_210 : memref<4096xf32, #tpu.memory_space<hbm>>) target_semaphore(%arg13 : memref<!tpu.dma_semaphore, #tpu.memory_space<semaphore_mem>>)
    %add3A_213 = arith.constant 1 : i32
    %add3A_214 = arith.addi %mul3A_2, %add3A_213 : i32
    %dma_start3A_215 = arith.constant 12288 : i32
    %dma_start3A_216 = tpu.memref_slice %arg6[%dma_start3A_215] : memref<16384xf32, #tpu.memory_space<vmem>> -> memref<4096xf32, #tpu.memory_space<vmem>>
    %dma_start3A_217 = arith.constant 4096 : i32
    %dma_start3A_218 = tpu.memref_slice %arg3[%add3A_214, %dma_start3A_217] : memref<64x8192xf32, #tpu.memory_space<hbm>> -> memref<1x4096xf32, #tpu.memory_space<hbm>>
    %dma_start3A_219 = tpu.memref_squeeze %dma_start3A_218 : memref<1x4096xf32, #tpu.memory_space<hbm>> -> memref<4096xf32, #tpu.memory_space<hbm>>
    %dma_start3A_220 = arith.constant 4096 : i32
    %dma_start3A_221 = tpu.memref_slice %arg3[%add3A_214, %dma_start3A_220] : memref<64x8192xf32, #tpu.memory_space<hbm>> -> memref<1x4096xf32, #tpu.memory_space<hbm>>
    %dma_start3A_222 = tpu.memref_squeeze %dma_start3A_221 : memref<1x4096xf32, #tpu.memory_space<hbm>> -> memref<4096xf32, #tpu.memory_space<hbm>>
    %dma_start3A_223 = arith.constant 12288 : i32
    %dma_start3A_224 = tpu.memref_slice %arg6[%dma_start3A_223] : memref<16384xf32, #tpu.memory_space<vmem>> -> memref<4096xf32, #tpu.memory_space<vmem>>
    tpu.enqueue_dma source(%dma_start3A_224 : memref<4096xf32, #tpu.memory_space<vmem>>) target(%dma_start3A_222 : memref<4096xf32, #tpu.memory_space<hbm>>) target_semaphore(%arg14 : memref<!tpu.dma_semaphore, #tpu.memory_space<semaphore_mem>>)
    %dma_wait3A_225 = arith.constant 0 : i32
    %dma_wait3A_226 = tpu.memref_slice %arg6[%dma_wait3A_225] : memref<16384xf32, #tpu.memory_space<vmem>> -> memref<4096xf32, #tpu.memory_space<vmem>>
    %dma_wait3A_227 = arith.constant 0 : i32
    %dma_wait3A_228 = tpu.memref_slice %arg3[%add3A_172, %dma_wait3A_227] : memref<64x8192xf32, #tpu.memory_space<hbm>> -> memref<1x4096xf32, #tpu.memory_space<hbm>>
    %dma_wait3A_229 = tpu.memref_squeeze %dma_wait3A_228 : memref<1x4096xf32, #tpu.memory_space<hbm>> -> memref<4096xf32, #tpu.memory_space<hbm>>
    %dma_wait3A_230 = arith.constant 0 : i32
    %dma_wait3A_231 = tpu.memref_slice %arg3[%add3A_172, %dma_wait3A_230] : memref<64x8192xf32, #tpu.memory_space<hbm>> -> memref<1x4096xf32, #tpu.memory_space<hbm>>
    %dma_wait3A_232 = tpu.memref_squeeze %dma_wait3A_231 : memref<1x4096xf32, #tpu.memory_space<hbm>> -> memref<4096xf32, #tpu.memory_space<hbm>>
    %dma_wait3A_233 = arith.constant 0 : i32
    %dma_wait3A_234 = tpu.memref_slice %arg6[%dma_wait3A_233] : memref<16384xf32, #tpu.memory_space<vmem>> -> memref<4096xf32, #tpu.memory_space<vmem>>
    tpu.wait_dma2 semaphore(%arg11 : memref<!tpu.dma_semaphore, #tpu.memory_space<semaphore_mem>>) src(%dma_wait3A_234 : memref<4096xf32, #tpu.memory_space<vmem>>) dst(%dma_wait3A_232 : memref<4096xf32, #tpu.memory_space<hbm>>)
    %dma_wait3A_235 = arith.constant 8192 : i32
    %dma_wait3A_236 = tpu.memref_slice %arg6[%dma_wait3A_235] : memref<16384xf32, #tpu.memory_space<vmem>> -> memref<4096xf32, #tpu.memory_space<vmem>>
    %dma_wait3A_237 = arith.constant 0 : i32
    %dma_wait3A_238 = tpu.memref_slice %arg3[%add3A_184, %dma_wait3A_237] : memref<64x8192xf32, #tpu.memory_space<hbm>> -> memref<1x4096xf32, #tpu.memory_space<hbm>>
    %dma_wait3A_239 = tpu.memref_squeeze %dma_wait3A_238 : memref<1x4096xf32, #tpu.memory_space<hbm>> -> memref<4096xf32, #tpu.memory_space<hbm>>
    %dma_wait3A_240 = arith.constant 0 : i32
    %dma_wait3A_241 = tpu.memref_slice %arg3[%add3A_184, %dma_wait3A_240] : memref<64x8192xf32, #tpu.memory_space<hbm>> -> memref<1x4096xf32, #tpu.memory_space<hbm>>
    %dma_wait3A_242 = tpu.memref_squeeze %dma_wait3A_241 : memref<1x4096xf32, #tpu.memory_space<hbm>> -> memref<4096xf32, #tpu.memory_space<hbm>>
    %dma_wait3A_243 = arith.constant 8192 : i32
    %dma_wait3A_244 = tpu.memref_slice %arg6[%dma_wait3A_243] : memref<16384xf32, #tpu.memory_space<vmem>> -> memref<4096xf32, #tpu.memory_space<vmem>>
    tpu.wait_dma2 semaphore(%arg12 : memref<!tpu.dma_semaphore, #tpu.memory_space<semaphore_mem>>) src(%dma_wait3A_244 : memref<4096xf32, #tpu.memory_space<vmem>>) dst(%dma_wait3A_242 : memref<4096xf32, #tpu.memory_space<hbm>>)
    %dma_wait3A_245 = arith.constant 4096 : i32
    %dma_wait3A_246 = tpu.memref_slice %arg6[%dma_wait3A_245] : memref<16384xf32, #tpu.memory_space<vmem>> -> memref<4096xf32, #tpu.memory_space<vmem>>
    %dma_wait3A_247 = arith.constant 4096 : i32
    %dma_wait3A_248 = tpu.memref_slice %arg3[%add3A_202, %dma_wait3A_247] : memref<64x8192xf32, #tpu.memory_space<hbm>> -> memref<1x4096xf32, #tpu.memory_space<hbm>>
    %dma_wait3A_249 = tpu.memref_squeeze %dma_wait3A_248 : memref<1x4096xf32, #tpu.memory_space<hbm>> -> memref<4096xf32, #tpu.memory_space<hbm>>
    %dma_wait3A_250 = arith.constant 4096 : i32
    %dma_wait3A_251 = tpu.memref_slice %arg3[%add3A_202, %dma_wait3A_250] : memref<64x8192xf32, #tpu.memory_space<hbm>> -> memref<1x4096xf32, #tpu.memory_space<hbm>>
    %dma_wait3A_252 = tpu.memref_squeeze %dma_wait3A_251 : memref<1x4096xf32, #tpu.memory_space<hbm>> -> memref<4096xf32, #tpu.memory_space<hbm>>
    %dma_wait3A_253 = arith.constant 4096 : i32
    %dma_wait3A_254 = tpu.memref_slice %arg6[%dma_wait3A_253] : memref<16384xf32, #tpu.memory_space<vmem>> -> memref<4096xf32, #tpu.memory_space<vmem>>
    tpu.wait_dma2 semaphore(%arg13 : memref<!tpu.dma_semaphore, #tpu.memory_space<semaphore_mem>>) src(%dma_wait3A_254 : memref<4096xf32, #tpu.memory_space<vmem>>) dst(%dma_wait3A_252 : memref<4096xf32, #tpu.memory_space<hbm>>)
    %dma_wait3A_255 = arith.constant 12288 : i32
    %dma_wait3A_256 = tpu.memref_slice %arg6[%dma_wait3A_255] : memref<16384xf32, #tpu.memory_space<vmem>> -> memref<4096xf32, #tpu.memory_space<vmem>>
    %dma_wait3A_257 = arith.constant 4096 : i32
    %dma_wait3A_258 = tpu.memref_slice %arg3[%add3A_214, %dma_wait3A_257] : memref<64x8192xf32, #tpu.memory_space<hbm>> -> memref<1x4096xf32, #tpu.memory_space<hbm>>
    %dma_wait3A_259 = tpu.memref_squeeze %dma_wait3A_258 : memref<1x4096xf32, #tpu.memory_space<hbm>> -> memref<4096xf32, #tpu.memory_space<hbm>>
    %dma_wait3A_260 = arith.constant 4096 : i32
    %dma_wait3A_261 = tpu.memref_slice %arg3[%add3A_214, %dma_wait3A_260] : memref<64x8192xf32, #tpu.memory_space<hbm>> -> memref<1x4096xf32, #tpu.memory_space<hbm>>
    %dma_wait3A_262 = tpu.memref_squeeze %dma_wait3A_261 : memref<1x4096xf32, #tpu.memory_space<hbm>> -> memref<4096xf32, #tpu.memory_space<hbm>>
    %dma_wait3A_263 = arith.constant 12288 : i32
    %dma_wait3A_264 = tpu.memref_slice %arg6[%dma_wait3A_263] : memref<16384xf32, #tpu.memory_space<vmem>> -> memref<4096xf32, #tpu.memory_space<vmem>>
    tpu.wait_dma2 semaphore(%arg14 : memref<!tpu.dma_semaphore, #tpu.memory_space<semaphore_mem>>) src(%dma_wait3A_264 : memref<4096xf32, #tpu.memory_space<vmem>>) dst(%dma_wait3A_262 : memref<4096xf32, #tpu.memory_space<hbm>>)
    return
  }
}

</mosaic_0001>

<sc_bundles>
// kernel: kernel.3.cloned.1.call-start
scs
__scs_entry_jumppad:
0x0: {  	(pc) =	sbr.rel $0x88, $3  }
0x1: {  	(tag) =	ssettag $0x0;
	lr =	simm.s32 $0x1  }
0x2: {  	[smem:$0x3FA0] =	sst lr;
	_ =	strace $0xD0000000  }
0x3: {  	_ = 	snop  }
0x4: {  	_ = 	snop  }
0x5: {  	_ = 	snop  }
0x6: {  	_ = 	snop  }
0x7: {  	_ = 	snop  }
__scs_overlays_trampoline_lowered:
0x8: {  	[smem:$0x3FAF] =	sst s0  }
0x9: {  	[smem:$0x3FB0] =	sst s1  }
0xa: {  	[smem:$0x3FB1] =	sst s2  }
0xb: {  	[smem:$0x3FB2] =	sst s3  }
0xc: {  	[smem:$0x3FB3] =	sst s4  }
0xd: {  	[smem:$0x3FB4] =	sst s5  }
0xe: {  	[smem:$0x3FB5] =	sst s6  }
0xf: {  	[smem:$0x3FB6] =	sst s7  }
0x10: {  	[smem:$0x3FB7] =	sst s8  }
0x11: {  	[smem:$0x3FB8] =	sst s9;
	s0 =	simm.s32 @!p0 $0x0  }
0x12: {  	s1 =	sld [smem:$0x3F9E];
	s0 =	simm.s32 @p0 $0x1  }
0x13: {  	[smem:$0x3FB9] =	sst s0;
	s0 =	simm.s32 @!p1 $0x0  }
0x14: {  	s2 =	sld [smem:$0x3F9D];
	s0 =	simm.s32 @p1 $0x1  }
0x15: {  	[smem:$0x3FBA] =	sst s0;
	s0 =	simm.s32 @!p2 $0x0  }
0x16: {  	s3 =	sld [smem:$0x3FDB];
	s0 =	simm.s32 @p2 $0x1  }
0x17: {  	s4 =	simm.s32 $0x1BF5;
	[smem:$0x3FBC] =	sst s0  }
0x18: {  	s0 =	sld [smem:$0x3F9F];
	_ =	swait.ge [sflag:s4], $0x0  }
0x19: {  	s7 =	sld [smem:$0x3FA0]  }
0x1a: {  	s8 =	sadd.s32 $0xFFFFE003, lr  }
0x1b: {  	s9 =	sadd.s32 $0xFFFFFEF7, lr;
	s5 =	simm.s32 $0xFFFFFFFF;
	p2 =	slt.u32 s8, $0xFFFFF086  }
0x1c: {  	p1 =	slt.u32 s9, $0xF7A;
	s5 =	simm.s32 @!p2 $0x0  }
0x1d: {  	s5 =	simm.s32 @p1 $0x1;
	p0 =	seq.s32 s7, s2  }
0x1e: {  	s7 =	smul.u32 @!p0 $0xF7A, s2;
	p2 =	seq.s32 @!p0 s5, $0x0  }
0x1f: {  	s9 =	smul.u32 $0xF7A, s1;
	s8 =	simm.s32 @!p0 $0x1BF5;
	p2 =	por !p2, p0  }
0x20: {  	[sflag:s8] =	ssyncset.s32 @!p0 $0xFFFFF086;
	s6 =	sadd.s32 @!p0 s3, s7;
	s7 =	simm.s32 @!p0 $0x108  }
0x21: {  	s3 =	sadd.s32 s3, s9;
	s6 =	sadd.s32 @!p0 $0x88, s6;
	s7 =	simm.s32 @p2 $0x1082  }
0x22: {  	[simem:s7], [sflag:s8] =	dma.local @!p0 [hbm:s6], $0xF7A  }
0x23: {  	s9 =	sor.u32 $0xD0000000, s2;
	s6 =	simm.s32 $0x108;
	_ =	swait.ge @!p0 [sflag:s8], $0x0  }
0x24: {  	s3 =	sadd.s32 $0x88, s3;
	s6 =	simm.s32 @!p1 $0x1082;
	[sflag:s4] =	ssyncset.s32 $0xFFFFF086  }
0x25: {  	[simem:s6], [sflag:s4] =	dma.local [hbm:s3], $0xF7A  }
0x26: {  	[smem:$0x3FA0] =	sst s1;
	(tag) =	ssettag s2;
	_ =	strace s9  }
0x27: {  	s1 =	sld [smem:$0x3FB0]  }
0x28: {  	s2 =	sld [smem:$0x3FB1]  }
0x29: {  	s4 =	sld [smem:$0x3FB3]  }
0x2a: {  	p0 =	seq.s32 s5, $0x0;
	s5 =	sld [smem:$0x3FB4]  }
0x2b: {  	s6 =	sld [smem:$0x3FB5]  }
0x2c: {  	s7 =	sld [smem:$0x3FB6]  }
0x2d: {  	s3 =	simm.s32 $0x108;
	s8 =	sld [smem:$0x3FB7]  }
0x2e: {  	s3 =	simm.s32 @!p0 $0x1082;
	s9 =	sld [smem:$0x3FB8]  }
0x2f: {  	lr =	sadd.s32 s0, s3;
	s0 =	sld [smem:$0x3FAF]  }
0x30: {  	s3 =	sld [smem:$0x3FB2]  }
0x31: {  	[smem:$0x3FBB] =	sst s10  }
0x32: {  	s10 =	sld [smem:$0x3FB9];
	_ =	sdelay $0x3  }
0x33: {  	p0 =	seq.s32 s10, $0x1;
	s10 =	sld [smem:$0x3FBB];
	_ =	sdelay $0x3  }
0x34: {  	[smem:$0x3FBB] =	sst s10  }
0x35: {  	s10 =	sld [smem:$0x3FBA];
	_ =	sdelay $0x3  }
0x36: {  	p1 =	seq.s32 s10, $0x1;
	s10 =	sld [smem:$0x3FBB];
	_ =	sdelay $0x3  }
0x37: {  	[smem:$0x3FBB] =	sst s10  }
0x38: {  	s10 =	sld [smem:$0x3FBC]  }
0x39: {  	_ = 	snop;
	(pc) =	sbr.ind lr, $3  }
0x3a: {  	_ = 	snop  }
0x3b: {  	_ = 	snop  }
0x3c: {  	p2 =	seq.s32 s10, $0x1;
	s10 =	sld [smem:$0x3FBB]  }
0x3d: {  	_ =	shalt  }
0x3e: {  	_ =	shalt  }
0x3f: {  	_ =	shalt  }
0x40: {  	_ =	shalt  }
0x41: {  	_ =	shalt  }
0x42: {  	_ =	shalt  }
0x43: {  	_ =	shalt  }
0x44: {  	_ =	shalt  }
0x45: {  	_ =	shalt  }
0x46: {  	_ =	shalt  }
0x47: {  	_ =	shalt  }
0x48: {  	_ =	shalt  }
0x49: {  	_ =	shalt  }
0x4a: {  	_ =	shalt  }
0x4b: {  	_ =	shalt  }
0x4c: {  	_ =	shalt  }
0x4d: {  	_ =	shalt  }
0x4e: {  	_ =	shalt  }
0x4f: {  	_ =	shalt  }
0x50: {  	_ =	shalt  }
0x51: {  	_ =	shalt  }
0x52: {  	_ =	shalt  }
0x53: {  	_ =	shalt  }
0x54: {  	_ =	shalt  }
0x55: {  	_ =	shalt  }
0x56: {  	_ =	shalt  }
0x57: {  	_ =	shalt  }
0x58: {  	_ =	shalt  }
0x59: {  	_ =	shalt  }
0x5a: {  	_ =	shalt  }
0x5b: {  	_ =	shalt  }
0x5c: {  	_ =	shalt  }
0x5d: {  	_ =	shalt  }
0x5e: {  	_ =	shalt  }
0x5f: {  	_ =	shalt  }
0x60: {  	_ =	shalt  }
0x61: {  	_ =	shalt  }
0x62: {  	_ =	shalt  }
0x63: {  	_ =	shalt  }
0x64: {  	_ =	shalt  }
0x65: {  	_ =	shalt  }
0x66: {  	_ =	shalt  }
0x67: {  	_ =	shalt  }
0x68: {  	_ =	shalt  }
0x69: {  	_ =	shalt  }
0x6a: {  	_ =	shalt  }
0x6b: {  	_ =	shalt  }
0x6c: {  	_ =	shalt  }
0x6d: {  	_ =	shalt  }
0x6e: {  	_ =	shalt  }
0x6f: {  	_ =	shalt  }
0x70: {  	_ =	shalt  }
0x71: {  	_ =	shalt  }
0x72: {  	_ =	shalt  }
0x73: {  	_ =	shalt  }
0x74: {  	_ =	shalt  }
0x75: {  	_ =	shalt  }
0x76: {  	_ =	shalt  }
0x77: {  	_ =	shalt  }
0x78: {  	_ =	shalt  }
0x79: {  	_ =	shalt  }
0x7a: {  	_ =	shalt  }
0x7b: {  	_ =	shalt  }
0x7c: {  	_ =	shalt  }
0x7d: {  	_ =	shalt  }
0x7e: {  	_ =	shalt  }
0x7f: {  	_ =	shalt  }
0x80: {  	_ =	shalt  }
0x81: {  	_ =	shalt  }
0x82: {  	_ =	shalt  }
0x83: {  	_ =	shalt  }
0x84: {  	_ =	shalt  }
0x85: {  	_ =	shalt  }
0x86: {  	_ =	shalt  }
0x87: {  	_ =	shalt  }
.Lfunc_end0:
.L_simem_size_0:
called_computation_lowered:
.L_overlay_start_0:
0x88: {  	s2 =	sld [smem:$0x3FD9]  }
0x89: {  	s3 =	sld [smem:$0x3FFE];
	_ =	sdelay $0x1  }
0x8a: {  	s1 =	srdreg.scid  }
0x8b: {  	s0 =	sand.u32 $0x1, s1  }
0x8c: {  	s18 =	sshll.u32 s0, $0xA;
	s2 =	sadd.s32 s3, s2  }
0x8d: {  	s2 =	sadd.s32 s2, s18  }
0x8e: {  	[smem:$0x3FC7] =	sst s2  }
0x8f: {  	_ = 	snop  }
0x90: {  	s2 =	sld [smem:$0x3FC9]  }
0x91: {  	s19 =	sld [smem:$0x3FD0];
	(tm) =	ssettm $0x1  }
0x92: {  	s4 =	sld [smem:$0x3FFB];
	_ =	sdelay $0x3  }
0x93: {  	_ =	strace s4  }
0x94: {  	s4 =	sld [smem:$0x3FFC];
	_ =	sdelay $0x3  }
0x95: {  	_ =	strace s4  }
0x96: {  	s4 =	sld [smem:$0x3FFD];
	_ =	sdelay $0x3  }
0x97: {  	_ =	strace s4  }
0x98: {  	_ =	strace $0x8FFFFFFF  }
0x99: {  	s20 =	sld [smem:$0x3FDB];
	_ =	sdelay $0x1  }
0x9a: {  	s5 =	simm.s32 $_scs_section_size  }
0x9b: {  	s6 =	simm.s32 $_size__tile_overlayer_lowered;
	s7 =	simm.s32 $_tile_overlayer_lowered  }
0x9c: {  	s23 =	simm.s32 $0x1BFF;
	s22 =	sshll.u32 s7, $0x1;
	s4 =	sadd.s32 s5, s20  }
0x9d: {  	s8 =	simm.s32 $0x0;
	s21 =	sshll.u32 s6, $0x1;
	s6 =	sadd.s32 s22, s4  }
0x9e: {  	[timem:s8], [sflag:s23] =	dma.local [hbm:s6], s21  }
0x9f: {  	_ =	swait.ge [sflag:s23], s21  }
0xa0: {  	s5 =	ssub.s32 $0x0, s21;
	[sflag:s23] =	ssyncset.done $0x0  }
0xa1: {  	[sflag:s23] =	ssyncadd.s32 s5;
	_ =	sdelay $0x1  }
0xa2: {  	s24 =	simm.s32 $0x1B8B  }
0xa3: {  	_ =	swait.ge [sflag:s24], $0x1  }
0xa4: {  	[sflag:s24] =	ssyncset.done $0x0  }
0xa5: {  	s25 =	simm.s32 $0x1B8E;
	[sflag:s24] =	ssyncadd.s32 $0xFFFFFFFF  }
0xa6: {  	s26 =	simm.s32 $execute0_lowered;
	[smem:$0x3FD2] =	sst s25  }
0xa7: {  	s5 =	sshll.u32 s26, $0x1;
	_ =	strace $0x80000046;
	[dreg:$0x1] =	wrdreg $0xFFFFFFFF  }
0xa8: {  	s28 =	simm.s32 $_size_execute0_lowered;
	s4 =	sadd.s32 s4, s5;
	[dreg:$0x0] =	wrdreg $0x0  }
0xa9: {  	s5 =	sshll.u32 s28, $0x1;
	[dreg:$0x2] =	wrdreg s4  }
0xaa: {  	[dreg:$0x3] =	wrdreg s5  }
0xab: {  	[dreg:$0x4] =	wrdreg $0xC0  }
0xac: {  	_ =	task [dreg:s8], $0x5FFFF  }
0xad: {  	[dreg:$0x1] =	wrdreg $0xFFFFFFFF  }
0xae: {  	[dreg:$0x0] =	wrdreg $0x60  }
0xaf: {  	[dreg:$0x2] =	wrdreg s2  }
0xb0: {  	[dreg:$0x3] =	wrdreg s19  }
0xb1: {  	[dreg:$0x4] =	wrdreg $0x9  }
0xb2: {  	_ =	task.clear_ibuf [dreg:s8], $0x5FFFF;
	_ =	strace $0x90000046  }
0xb3: {  	s29 =	simm.s32 $0x9;
	_ =	strace $0x80000048  }
0xb4: {  	_ =	swait.ge [sflag:s29], $0x1  }
0xb5: {  	[sflag:s29] =	ssyncadd.s32 $0xFFFFFFFF  }
0xb6: {  	_ =	strace $0x90000048  }
0xb7: {  	_ =	sfence  }
0xb8: {  	s30 =	sld [smem:$0x0];
	_ =	sdelay $0x2  }
0xb9: {  	s31 =	sshll.u32 s1, $0xD;
	s1 =	sshrl.u32 s1, $0x2  }
0xba: {  	s3 =	sand.u32 $0x4000, s31;
	s1 =	sadd.s32 s1, s30  }
0xbb: {  	s0 =	sor.u32 s3, s0;
	s1 =	sshll.u32 s1, $0x11  }
0xbc: {  	s0 =	sor.u32 s1, s0  }
0xbd: {  	s0 =	sadd.s32 $0x8F2B, s0  }
0xbe: {  	[sflag:s0] =	ssyncadd.remote.s32 $0x1  }
0xbf: {  	_ =	sfence.sel $0xFFFF  }
0xc0: {  	[dreg:$0x0] =	wrdreg $0xFFFFFFFF;
	(pc) =	sbr.abs _section_cstart, $3  }
0xc1: {  	[dreg:$0x1] =	wrdreg $0xFFFFFFFF  }
0xc2: {  	_ =	task.clear_ibuf [dreg:s8], $0x2FFFF;
	_ =	strace $0x9FFFFFFF  }
0xc3: {  	(tm) =	ssettm $0x7FFFFFFF  }
tec
execute0_lowered:
.L_overlay_start_1:
0x0: {  	(tag) =	ssettag $0x1  }
0x1: {  	s0 =	rddreg [dreg:$0x0]  }
0x2: {  	s1 =	rddreg [dreg:$0x1];
	s2 =	srdreg.scid  }
0x3: {  	s3 =	simm.s32 $0x0;
	s5 =	stileid.u32;
	s12 =	simm.s32 $0x80  }
0x4: {  	s13 =	simm.s32 $0x400;
	s17 =	simm.s32 $0x1;
	s18 =	simm.s32 $0x2  }
0x5: {  	s28 =	simm.s32 $0x7;
	s29 =	simm.s32 $0x8;
	s30 =	simm.s32 $0x0  }
0x6: {  	s2 =	sand.u32 $0x1, s2;
	s4 =	sshll.u32 s5, $0x6;
	s5 =	sshll.u32 s5, $0xC  }
0x7: {  	s19 =	ssub.s32 $0x2, s2;
	s2 =	sshll.u32 s2, $0x5;
	s4 =	sand.u32 $0x40, s4  }
0x8: {  	[smem:$0x7FF] =	sst s3;
	s5 =	sand.u32 $0xE000, s5;
	s2 =	sor.u32 s2, s4  }
0x9: {  	_ =	strace $0x80000047;
	s6 =	sshrl.u32 s19, $0x1;
	s2 =	sor.u32 s5, s2  }
0xa: {  	s3 =	ssub.s32 s19, s6;
	s19 =	simm.s32 $0x3;
	s20 =	sadd.s32 s0, s2  }
0xb: {  	s21 =	sor.u32 $0x10, s2;
	s25 =	sadd.s32 s1, s2;
	[dreg:$0x3] =	wrdreg s20  }
0xc: {  	s5 =	sor.u32 $0x1000, s2;
	s22 =	sadd.s32 s0, s21;
	[dreg:$0x7] =	wrdreg s25  }
0xd: {  	s24 =	sor.u32 $0x1010, s2;
	s23 =	sadd.s32 s0, s5;
	[dreg:$0x4] =	wrdreg s22  }
0xe: {  	s11 =	smax.u32 s3, $0x1;
	s0 =	sadd.s32 s0, s24;
	[dreg:$0x5] =	wrdreg s23  }
0xf: {  	s26 =	sadd.s32 s1, s21;
	s31 =	sadd.s32 s1, s5;
	[dreg:$0x6] =	wrdreg s0  }
0x10: {  	s10 =	sadd.s32 s1, s24;
	s20 =	simm.s32 $0x4;
	[dreg:$0x8] =	wrdreg s26  }
0x11: {  	v0 =	vlaneseq.u32;
	v1 =	vimm.f32 $0.0e+00;
	s25 =	simm.s32 $0x5;
	[dreg:$0x9] =	wrdreg s31;
	s26 =	simm.s32 $0x6  }
.LBB2_1:
0x12: {  	s0 =	simm.s32 $0x0;
	s1 =	rddreg [dreg:$0x3]  }
0x13: {  	[tilespmem:s0], [sflag:$0x1] =	stream.strided.gather [hbm4b:s1+s12], $0x1000, s13, s12, $0x38;
	[tilespmem:$0xC080] =	vst v63  }
0x14: {  	s15 =	rddreg [dreg:$0x4];
	s16 =	simm.s32 $0x2000  }
0x15: {  	[tilespmem:s16], [sflag:$0x2] =	stream.strided.gather [hbm4b:s15+s12], $0x1000, s13, s12, $0x38;
	[tilespmem:$0xC080] =	vst v63  }
0x16: {  	s21 =	rddreg [dreg:$0x5];
	s22 =	simm.s32 $0x1000  }
0x17: {  	[tilespmem:s22], [sflag:$0x3] =	stream.strided.gather [hbm4b:s21+s12], $0x1000, s13, s12, $0x38;
	[tilespmem:$0xC080] =	vst v63  }
0x18: {  	s23 =	rddreg [dreg:$0x6];
	s24 =	simm.s32 $0x3000  }
0x19: {  	[tilespmem:s24], [sflag:$0x4] =	stream.strided.gather [hbm4b:s23+s12], $0x1000, s13, s12, $0x38;
	[tilespmem:$0xC080] =	vst v63  }
0x1a: {  	_ =	swait.ge [sflag:s17], $0x1000  }
0x1b: {  	[sflag:s17] =	ssyncset.done $0x0  }
0x1c: {  	[sflag:s17] =	ssyncadd.s32 $0xFFFFF000  }
0x1d: {  	_ =	swait.ge [sflag:s18], $0x1000  }
0x1e: {  	[sflag:s18] =	ssyncset.done $0x0  }
0x1f: {  	s31 =	simm.s32 $0x0;
	[sflag:s18] =	ssyncadd.s32 $0xFFFFF000  }
0x20: {  	v2 =	vld [tilespmem:s31+$0x2000]  }
0x21: {  	v3 =	vld [tilespmem:s31+$0x2010]  }
0x22: {  	v5 =	vld [tilespmem:s31+$0x2020]  }
0x23: {  	v6 =	vld [tilespmem:s31+$0x2030]  }
0x24: {  	v7 =	vld [tilespmem:s31+$0x2040]  }
0x25: {  	v8 =	vld [tilespmem:s31+$0x2050]  }
0x26: {  	v9 =	vld [tilespmem:s31+$0x2060]  }
0x27: {  	v10 =	vld [tilespmem:s31+$0x2070]  }
0x28: {  	v11 =	vld [tilespmem:s31+$0x0]  }
0x29: {  	v12 =	vld [tilespmem:s31+$0x10]  }
0x2a: {  	v13 =	vld [tilespmem:s31+$0x20]  }
0x2b: {  	v14 =	vld [tilespmem:s31+$0x30]  }
0x2c: {  	v15 =	vld [tilespmem:s31+$0x40]  }
0x2d: {  	v16 =	vld [tilespmem:s31+$0x50]  }
0x2e: {  	v17 =	vld [tilespmem:s31+$0x60]  }
0x2f: {  	s0 =	simm.s32 $0x80;
	v18 =	vld [tilespmem:s31+$0x70]  }
0x30: {  	v4 =	vld [tilespmem:s0+$0x2000]  }
0x31: {  	v2 =	vmax.f32 v2, v3;
	v3 =	vmax.f32 v5, v6;
	v5 =	vld [tilespmem:s0+$0x2010]  }
0x32: {  	v7 =	vmax.f32 v7, v8;
	v8 =	vmax.f32 v9, v10;
	v6 =	vld [tilespmem:s0+$0x2020];
	v10 =	vmax.f32 v11, v12  }
0x33: {  	v11 =	vmax.f32 v13, v14;
	v62 =	vmax.f32 v15, v16;
	v9 =	vmax.f32 v7, v8;
	v7 =	vld [tilespmem:s0+$0x2030]  }
0x34: {  	v63 =	vmax.f32 v17, v18;
	v2 =	vmax.f32 v2, v3;
	v3 =	vimm.f32 $-Inf;
	v8 =	vld [tilespmem:s0+$0x2040]  }
0x35: {  	v11 =	vmax.f32 v10, v11;
	v12 =	vmax.f32 v62, v63;
	v10 =	vld [tilespmem:s0+$0x2060];
	v2 =	vmax.f32 v2, v9  }
0x36: {  	s1 =	simm.s32 $0x400;
	v9 =	vld [tilespmem:s0+$0x2050];
	v11 =	vmax.f32 v11, v12;
	v2 =	vmax.f32 v3, v2  }
.LBB2_2:
0x37: {  	p0 =	sne.s32 s1, $0x3E00;
	v12 =	vld [tilespmem:s0+$0x2070];
	v3 =	vmax.f32 v3, v11  }
0x38: {  	v11 =	vld [tilespmem:s0+$0x0]  }
0x39: {  	v13 =	vld [tilespmem:s0+$0x10]  }
0x3a: {  	v14 =	vld [tilespmem:s0+$0x20]  }
0x3b: {  	v4 =	vmax.f32 v4, v5;
	v15 =	vld [tilespmem:s0+$0x30]  }
0x3c: {  	v5 =	vmax.f32 v6, v7;
	v6 =	vmax.f32 v8, v9;
	v16 =	vld [tilespmem:s0+$0x40];
	v7 =	vmax.f32 v10, v12  }
0x3d: {  	v4 =	vmax.f32 v4, v5;
	v8 =	vld [tilespmem:s0+$0x50];
	v5 =	vmax.f32 v6, v7  }
0x3e: {  	v9 =	vld [tilespmem:s0+$0x60];
	v6 =	vmax.f32 v11, v13;
	v4 =	vmax.f32 v4, v5  }
0x3f: {  	v10 =	vld [tilespmem:s0+$0x70];
	s0 =	sshra.s32 s1, $0x2;
	v2 =	vmax.f32 v2, v4  }
0x40: {  	v4 =	vld [tilespmem:s0+$0x2000];
	v7 =	vmax.f32 v14, v15  }
0x41: {  	v5 =	vld [tilespmem:s0+$0x2010];
	v11 =	vmax.f32 v6, v7  }
.Ltmp0:
0x42: {  	v6 =	vld [tilespmem:s0+$0x2020];
	v12 =	vmax.f32 v16, v8;
	(pc) =	sbr.rel @p0 .LBB2_2-.Ltmp0, $4  }
0x43: {  	v7 =	vld [tilespmem:s0+$0x2030]  }
0x44: {  	v8 =	vld [tilespmem:s0+$0x2040];
	v10 =	vmax.f32 v9, v10  }
0x45: {  	v9 =	vld [tilespmem:s0+$0x2050];
	v12 =	vmax.f32 v12, v10  }
0x46: {  	s1 =	sadd.s32 $0x200, s1;
	v10 =	vld [tilespmem:s0+$0x2060];
	v11 =	vmax.f32 v11, v12  }
0x47: {  	v12 =	vld [tilespmem:s0+$0x2070]  }
0x48: {  	v13 =	vld [tilespmem:s0+$0x0]  }
0x49: {  	v14 =	vld [tilespmem:s0+$0x10]  }
0x4a: {  	v15 =	vld [tilespmem:s0+$0x20]  }
0x4b: {  	v16 =	vld [tilespmem:s0+$0x30]  }
0x4c: {  	v17 =	vld [tilespmem:s0+$0x40]  }
0x4d: {  	v18 =	vld [tilespmem:s0+$0x50]  }
0x4e: {  	v19 =	vld [tilespmem:s0+$0x60]  }
0x4f: {  	v20 =	vld [tilespmem:s0+$0x70];
	_ =	swait.ge [sflag:s19], $0x1000  }
0x50: {  	[sflag:s19] =	ssyncset.done $0x0  }
0x51: {  	[sflag:s19] =	ssyncadd.s32 $0xFFFFF000  }
0x52: {  	_ =	swait.ge [sflag:s20], $0x1000  }
0x53: {  	[sflag:s20] =	ssyncset.done $0x0  }
0x54: {  	s1 =	simm.s32 $0x0;
	[sflag:s20] =	ssyncadd.s32 $0xFFFFF000  }
0x55: {  	v21 =	vld [tilespmem:s1+$0x3000]  }
0x56: {  	v22 =	vld [tilespmem:s1+$0x3010]  }
0x57: {  	v23 =	vld [tilespmem:s1+$0x3020]  }
0x58: {  	v24 =	vld [tilespmem:s1+$0x3030]  }
0x59: {  	v25 =	vld [tilespmem:s1+$0x3040]  }
0x5a: {  	v26 =	vld [tilespmem:s1+$0x3050]  }
0x5b: {  	v27 =	vld [tilespmem:s1+$0x3060]  }
0x5c: {  	v28 =	vld [tilespmem:s1+$0x3070]  }
0x5d: {  	v29 =	vld [tilespmem:s1+$0x1000]  }
0x5e: {  	v30 =	vld [tilespmem:s1+$0x1010]  }
0x5f: {  	v31 =	vld [tilespmem:s1+$0x1020]  }
0x60: {  	v32 =	vld [tilespmem:s1+$0x1030]  }
0x61: {  	v11 =	vmax.f32 v3, v11;
	v3 =	vmax.f32 v4, v5;
	v5 =	vmax.f32 v6, v7;
	v4 =	vld [tilespmem:s1+$0x1040]  }
0x62: {  	v3 =	vmax.f32 v3, v5;
	v6 =	vmax.f32 v8, v9;
	v8 =	vld [tilespmem:s1+$0x1050]  }
0x63: {  	v7 =	vmax.f32 v10, v12;
	v10 =	vmax.f32 v17, v18;
	v56 =	vmax.f32 v19, v20;
	v9 =	vld [tilespmem:s1+$0x1060]  }
0x64: {  	s0 =	simm.s32 $0x80;
	v5 =	vmax.f32 v6, v7;
	v6 =	vmax.f32 v13, v14;
	v7 =	vmax.f32 v15, v16;
	v57 =	vld [tilespmem:s1+$0x1070]  }
0x65: {  	v5 =	vmax.f32 v3, v5;
	v6 =	vmax.f32 v6, v7;
	v7 =	vmax.f32 v10, v56;
	v3 =	vld [tilespmem:s0+$0x3000]  }
0x66: {  	v2 =	vmax.f32 v2, v5;
	v10 =	vmax.f32 v6, v7;
	v6 =	vld [tilespmem:s0+$0x3010];
	v7 =	vmax.f32 v21, v22  }
0x67: {  	v5 =	vld [tilespmem:s0+$0x3020];
	v58 =	vmax.f32 v23, v24;
	v59 =	vmax.f32 v25, v26;
	v60 =	vmax.f32 v27, v28  }
0x68: {  	v61 =	vmax.f32 v29, v30;
	v62 =	vmax.f32 v31, v32;
	v4 =	vmax.f32 v4, v8;
	v8 =	vld [tilespmem:s0+$0x3040]  }
0x69: {  	v13 =	vmax.f32 v9, v57;
	v9 =	vld [tilespmem:s0+$0x3050];
	v12 =	vmax.f32 v7, v58;
	v14 =	vmax.f32 v59, v60  }
0x6a: {  	v7 =	vld [tilespmem:s0+$0x3030];
	v63 =	vmax.f32 v61, v62;
	v13 =	vmax.f32 v4, v13;
	v12 =	vmax.f32 v12, v14  }
0x6b: {  	s1 =	simm.s32 $0x400;
	v4 =	vmax.f32 v11, v10;
	v10 =	vld [tilespmem:s0+$0x3060];
	v11 =	vmax.f32 v63, v13;
	v2 =	vmax.f32 v2, v12  }
.LBB2_4:
0x6c: {  	p0 =	sne.s32 s1, $0x3E00;
	v12 =	vld [tilespmem:s0+$0x3070];
	v4 =	vmax.f32 v4, v11  }
0x6d: {  	v11 =	vld [tilespmem:s0+$0x1000]  }
0x6e: {  	v13 =	vld [tilespmem:s0+$0x1010]  }
0x6f: {  	v14 =	vld [tilespmem:s0+$0x1020]  }
0x70: {  	v3 =	vmax.f32 v3, v6;
	v15 =	vld [tilespmem:s0+$0x1030]  }
0x71: {  	v5 =	vmax.f32 v5, v7;
	v6 =	vmax.f32 v8, v9;
	v16 =	vld [tilespmem:s0+$0x1040];
	v7 =	vmax.f32 v10, v12  }
0x72: {  	v3 =	vmax.f32 v3, v5;
	v8 =	vld [tilespmem:s0+$0x1050];
	v5 =	vmax.f32 v6, v7  }
0x73: {  	v9 =	vld [tilespmem:s0+$0x1060];
	v7 =	vmax.f32 v11, v13;
	v3 =	vmax.f32 v3, v5  }
0x74: {  	v10 =	vld [tilespmem:s0+$0x1070];
	s0 =	sshra.s32 s1, $0x2;
	v2 =	vmax.f32 v2, v3  }
0x75: {  	v3 =	vld [tilespmem:s0+$0x3000];
	v5 =	vmax.f32 v14, v15  }
0x76: {  	v6 =	vld [tilespmem:s0+$0x3010];
	v11 =	vmax.f32 v7, v5  }
.Ltmp1:
0x77: {  	v5 =	vld [tilespmem:s0+$0x3020];
	v12 =	vmax.f32 v16, v8;
	(pc) =	sbr.rel @p0 .LBB2_4-.Ltmp1, $4  }
0x78: {  	v7 =	vld [tilespmem:s0+$0x3030]  }
0x79: {  	v8 =	vld [tilespmem:s0+$0x3040];
	v10 =	vmax.f32 v9, v10  }
0x7a: {  	v9 =	vld [tilespmem:s0+$0x3050];
	v12 =	vmax.f32 v12, v10  }
0x7b: {  	s1 =	sadd.s32 $0x200, s1;
	v10 =	vld [tilespmem:s0+$0x3060];
	v11 =	vmax.f32 v11, v12  }
0x7c: {  	v12 =	vld [tilespmem:s0+$0x1000]  }
0x7d: {  	v13 =	vld [tilespmem:s0+$0x1010]  }
0x7e: {  	v14 =	vld [tilespmem:s0+$0x1020]  }
0x7f: {  	v15 =	vld [tilespmem:s0+$0x1030]  }
0x80: {  	v16 =	vld [tilespmem:s0+$0x1040]  }
0x81: {  	v17 =	vld [tilespmem:s0+$0x1050]  }
0x82: {  	v18 =	vld [tilespmem:s0+$0x1060]  }
0x83: {  	v19 =	vld [tilespmem:s0+$0x1070];
	_ =	sdelay $0x1  }
0x84: {  	v20 =	vld [tilespmem:s0+$0x3070];
	_ =	sdelay $0x1  }
0x85: {  	v4 =	vmax.f32 v4, v11;
	v3 =	vmax.f32 v3, v6;
	v6 =	vmax.f32 v12, v13  }
0x86: {  	v41 =	vmax.f32 v14, v15;
	v42 =	vmax.f32 v16, v17;
	v43 =	vmax.f32 v18, v19  }
0x87: {  	v5 =	vmax.f32 v5, v7;
	v6 =	vmax.f32 v6, v41;
	v7 =	vmax.f32 v42, v43  }
0x88: {  	v8 =	vmax.f32 v8, v9;
	v44 =	vmax.f32 v10, v20;
	v6 =	vmax.f32 v6, v7  }
0x89: {  	v3 =	vmax.f32 v3, v5;
	v5 =	vmax.f32 v8, v44;
	v4 =	vmax.f32 v4, v6  }
0x8a: {  	v3 =	vmax.f32 v3, v5;
	(xrf0) =	vmax.scan.msk.f32 $0xffff, v4  }
0x8b: {  	v2 =	vmax.f32 v2, v3  }
0x8c: {  	(xrf0) =	vmax.scan.msk.f32 $0xffff, v2;
	_ =	sdelay $0x3  }
0x8d: {  	v2, _, _ =	vpop (xrf0)  }
0x8e: {  	(v2sf) =	vpush v2, $0xF  }
0x8f: {  	v2, _, _ =	vpop (xrf0)  }
0x90: {  	(v2sf) =	vpush v2, $0xF;
	_ =	sdelay $0xa  }
0x91: {  	s1 =	simm.s32 $0x40  }
0x92: {  	v6 =	vld [tilespmem:s1+$0xFFFFFFC0]  }
0x93: {  	v7 =	vld [tilespmem:s1+$0xFFFFFFD0];
	s2 =	spop (v2sf)  }
0x94: {  	v45 =	vld [tilespmem:s1+$0x1FC0];
	s31 =	sadd.f32 $-1.000000000e+00, s2  }
0x95: {  	v46 =	vld [tilespmem:s1+$0x1FD0];
	s3 =	spop (v2sf)  }
0x96: {  	v47 =	vld [tilespmem:s1+$0xFFFFFFE0];
	s0 =	sadd.f32 $-1.000000000e+00, s3;
	v3 =	vmov s31  }
0x97: {  	v48 =	vld [tilespmem:s1+$0x1FE0];
	vm2 =	vgt.f32 v6, v3  }
0x98: {  	v49 =	vld [tilespmem:s1+$0xFFFFFFF0];
	v2 =	vmov s0;
	vm1 =	vgt.f32 v7, v3;
	v4 =	vmpcnt.ones.xlane vm2  }
0x99: {  	v50 =	vld [tilespmem:s1+$0x1FF0];
	vm6 =	vgt.f32 v45, v2;
	v5 =	vmpcnt.ones.xlane vm1  }
0x9a: {  	v51 =	vld [tilespmem:s1+$0x0];
	vm3 =	vgt.f32 v46, v2;
	(v2sf) =	vpush v4, $0x0;
	v4 =	vmpcnt.ones.xlane vm6  }
0x9b: {  	v52 =	vld [tilespmem:s1+$0x2000];
	vm4 =	vgt.f32 v47, v3;
	v53 =	vmpcnt.ones.xlane vm3;
	(v2sf) =	vpush v5, $0x0  }
0x9c: {  	v54 =	vld [tilespmem:s1+$0x10];
	vm5 =	vgt.f32 v48, v2;
	v5 =	vmpcnt.ones.xlane vm4;
	(v2sf) =	vpush v4, $0x0  }
0x9d: {  	v55 =	vld [tilespmem:s1+$0x2010];
	vm7 =	vgt.f32 v49, v3;
	v56 =	vmpcnt.ones.xlane vm5;
	(v2sf) =	vpush v53, $0x0  }
0x9e: {  	v57 =	vld [tilespmem:s1+$0x20];
	vm10 =	vgt.f32 v50, v2;
	v58 =	vmpcnt.ones.xlane vm7;
	(v2sf) =	vpush v5, $0x0  }
0x9f: {  	vm12 =	vgt.f32 v51, v3;
	v4 =	vld [tilespmem:s1+$0x30];
	v5 =	vmpcnt.ones.xlane vm10;
	(v2sf) =	vpush v56, $0x0  }
0xa0: {  	vm14 =	vgt.f32 v52, v2;
	v21 =	vmpcnt.ones.xlane vm12;
	(v2sf) =	vpush v58, $0x0  }
0xa1: {  	vm13 =	vgt.f32 v54, v3;
	v60 =	vmpcnt.ones.xlane vm14;
	(v2sf) =	vpush v5, $0x0  }
0xa2: {  	vm8 =	vgt.f32 v55, v2;
	v5 =	vmpcnt.ones.xlane vm13;
	(v2sf) =	vpush v21, $0x0  }
0xa3: {  	vm9 =	vgt.f32 v57, v3;
	v61 =	vmpcnt.ones.xlane vm8;
	(v2sf) =	vpush v60, $0x0  }
0xa4: {  	v62 =	vmpcnt.ones.xlane vm9;
	vm0 =	vgt.f32 v4, v3;
	(v2sf) =	vpush v5, $0x0  }
0xa5: {  	v5 =	vmpcnt.ones.xlane vm0;
	(v2sf) =	vpush v61, $0x0  }
0xa6: {  	v59 =	vld [tilespmem:s1+$0x2020];
	(v2sf) =	vpush v62, $0x0  }
0xa7: {  	(v2sf) =	vpush v5, $0x0;
	v5 =	vld [tilespmem:s1+$0x2030];
	_ =	sdelay $0x1  }
0xa8: {  	s4 =	simm.s32 $0x0  }
0xa9: {  	[tilespmem:s4+$0x4000] =	vst.msk vm2, v6;
	s6 =	spop (v2sf)  }
0xaa: {  	vm11 =	vgt.f32 v59, v2;
	[tilespmem:s4+$0x6010] =	vst.msk vm6, v45;
	s1 =	sadd.s32 $0x0, s6  }
0xab: {  	v63 =	vmpcnt.ones.xlane vm11;
	[tilespmem:s1+$0x4000] =	vst.msk vm1, v7;
	vm1 =	vgt.f32 v5, v2  }
0xac: {  	v6 =	vmpcnt.ones.xlane vm1  }
0xad: {  	(v2sf) =	vpush v63, $0x0  }
0xae: {  	(v2sf) =	vpush v6, $0x0  }
0xaf: {  	s5 =	spop (v2sf)  }
0xb0: {  	s7 =	spop (v2sf)  }
0xb1: {  	s4 =	sadd.s32 $0x0, s7;
	s6 =	spop (v2sf)  }
0xb2: {  	s1 =	sadd.s32 s5, s1;
	[tilespmem:s4+$0x6010] =	vst.msk vm3, v46;
	s8 =	spop (v2sf)  }
0xb3: {  	s4 =	sadd.s32 s6, s4;
	[tilespmem:s1+$0x4000] =	vst.msk vm4, v47;
	s9 =	spop (v2sf)  }
0xb4: {  	s1 =	sadd.s32 s8, s1;
	[tilespmem:s4+$0x6010] =	vst.msk vm5, v48;
	s14 =	spop (v2sf)  }
0xb5: {  	s4 =	sadd.s32 s9, s4;
	[tilespmem:s1+$0x4000] =	vst.msk vm7, v49;
	s15 =	spop (v2sf)  }
0xb6: {  	s1 =	sadd.s32 s14, s1;
	[tilespmem:s4+$0x6010] =	vst.msk vm10, v50;
	s16 =	spop (v2sf)  }
0xb7: {  	s4 =	sadd.s32 s15, s4;
	[tilespmem:s1+$0x4000] =	vst.msk vm12, v51;
	s21 =	spop (v2sf)  }
0xb8: {  	s1 =	sadd.s32 s16, s1;
	[tilespmem:s4+$0x6010] =	vst.msk vm14, v52;
	s22 =	spop (v2sf)  }
0xb9: {  	s4 =	sadd.s32 s21, s4;
	[tilespmem:s1+$0x4000] =	vst.msk vm13, v54;
	s23 =	spop (v2sf)  }
0xba: {  	s15 =	simm.s32 $0xC0;
	s5 =	sadd.s32 s22, s1;
	[tilespmem:s4+$0x6010] =	vst.msk vm8, v55;
	s14 =	spop (v2sf)  }
0xbb: {  	s1 =	sadd.s32 s23, s4;
	[tilespmem:s5+$0x4000] =	vst.msk vm9, v57;
	s4 =	sadd.s32 s14, s5;
	s24 =	spop (v2sf)  }
0xbc: {  	s21 =	simm.s32 $0x500;
	[tilespmem:s1+$0x6010] =	vst.msk vm11, v59;
	s16 =	sadd.s32 s24, s4;
	s5 =	spop (v2sf)  }
.LBB2_6:
0xbd: {  	p0 =	sne.s32 s21, $0x7F00;
	s1 =	sadd.s32 s5, s1;
	[tilespmem:s4+$0x4000] =	vst.msk vm0, v4;
	s4 =	spop (v2sf)  }
0xbe: {  	[tilespmem:s1+$0x6010] =	vst.msk vm1, v5;
	s22 =	sadd.s32 s4, s1;
	s1 =	smov.u32 s21;
	s21 =	sadd.s32 $0x200, s21  }
0xbf: {  	s1 =	sshra.s32 s1, $0x2;
	v6 =	vld [tilespmem:s15+$0xFFFFFFC0]  }
0xc0: {  	v7 =	vld [tilespmem:s15+$0x1FD0]  }
0xc1: {  	v8 =	vld [tilespmem:s15+$0xFFFFFFD0]  }
0xc2: {  	v9 =	vld [tilespmem:s15+$0x1FC0]  }
0xc3: {  	v10 =	vld [tilespmem:s15+$0xFFFFFFE0]  }
0xc4: {  	v11 =	vld [tilespmem:s15+$0x1FE0];
	vm7 =	vgt.f32 v6, v3  }
0xc5: {  	v12 =	vld [tilespmem:s15+$0xFFFFFFF0];
	v4 =	vmpcnt.ones.xlane vm7  }
0xc6: {  	v13 =	vld [tilespmem:s15+$0x1FF0];
	vm4 =	vgt.f32 v8, v3  }
0xc7: {  	v14 =	vld [tilespmem:s15+$0x0];
	vm14 =	vgt.f32 v9, v2;
	v5 =	vmpcnt.ones.xlane vm4;
	(v2sf) =	vpush v4, $0x0  }
0xc8: {  	vm3 =	vgt.f32 v7, v2;
	v15 =	vld [tilespmem:s15+$0x2000];
	v4 =	vmpcnt.ones.xlane vm14  }
0xc9: {  	v17 =	vmpcnt.ones.xlane vm3;
	vm2 =	vgt.f32 v10, v3;
	v16 =	vld [tilespmem:s15+$0x10];
	(v2sf) =	vpush v5, $0x0  }
0xca: {  	vm5 =	vgt.f32 v11, v2;
	v5 =	vmpcnt.ones.xlane vm2;
	v18 =	vld [tilespmem:s15+$0x2010];
	(v2sf) =	vpush v4, $0x0  }
0xcb: {  	vm6 =	vgt.f32 v12, v3;
	v20 =	vmpcnt.ones.xlane vm5;
	v19 =	vld [tilespmem:s15+$0x2020];
	(v2sf) =	vpush v17, $0x0  }
0xcc: {  	vm8 =	vgt.f32 v13, v2;
	v21 =	vmpcnt.ones.xlane vm6;
	v17 =	vld [tilespmem:s15+$0x20];
	(v2sf) =	vpush v5, $0x0  }
0xcd: {  	vm9 =	vgt.f32 v14, v3;
	v22 =	vmpcnt.ones.xlane vm8;
	v4 =	vld [tilespmem:s15+$0x30];
	(v2sf) =	vpush v20, $0x0  }
0xce: {  	vm10 =	vgt.f32 v15, v2;
	v20 =	vmpcnt.ones.xlane vm9;
	(v2sf) =	vpush v21, $0x0  }
0xcf: {  	vm11 =	vgt.f32 v16, v3;
	v21 =	vmpcnt.ones.xlane vm10;
	v5 =	vld [tilespmem:s15+$0x2030];
	(v2sf) =	vpush v22, $0x0;
	s15 =	smov.u32 s1  }
0xd0: {  	vm13 =	vgt.f32 v18, v2;
	v22 =	vmpcnt.ones.xlane vm11;
	(v2sf) =	vpush v20, $0x0  }
0xd1: {  	v20 =	vmpcnt.ones.xlane vm13;
	vm12 =	vgt.f32 v17, v3;
	(v2sf) =	vpush v21, $0x0  }
0xd2: {  	vm0 =	vgt.f32 v4, v3;
	v21 =	vmpcnt.ones.xlane vm12;
	(v2sf) =	vpush v22, $0x0  }
0xd3: {  	vm15 =	vgt.f32 v19, v2;
	v22 =	vmpcnt.ones.xlane vm0;
	(v2sf) =	vpush v20, $0x0  }
0xd4: {  	v20 =	vmpcnt.ones.xlane vm15;
	vm1 =	vgt.f32 v5, v2;
	(v2sf) =	vpush v21, $0x0  }
0xd5: {  	v21 =	vmpcnt.ones.xlane vm1;
	(v2sf) =	vpush v22, $0x0  }
0xd6: {  	[tilespmem:s16+$0x4000] =	vst.msk vm7, v6;
	s1 =	spop (v2sf);
	(v2sf) =	vpush v20, $0x0  }
0xd7: {  	s1 =	sadd.s32 s16, s1;
	[tilespmem:s22+$0x6010] =	vst.msk vm14, v9;
	(v2sf) =	vpush v21, $0x0  }
0xd8: {  	[tilespmem:s1+$0x4000] =	vst.msk vm4, v8;
	s4 =	spop (v2sf)  }
0xd9: {  	s5 =	spop (v2sf)  }
0xda: {  	s5 =	sadd.s32 s22, s5;
	s6 =	spop (v2sf)  }
0xdb: {  	s1 =	sadd.s32 s4, s1;
	[tilespmem:s5+$0x6010] =	vst.msk vm3, v7;
	s4 =	sadd.s32 s6, s5;
	s5 =	spop (v2sf)  }
0xdc: {  	[tilespmem:s1+$0x4000] =	vst.msk vm2, v10;
	s6 =	spop (v2sf)  }
0xdd: {  	s1 =	sadd.s32 s5, s1;
	[tilespmem:s4+$0x6010] =	vst.msk vm5, v11;
	s4 =	sadd.s32 s6, s4;
	s5 =	spop (v2sf)  }
0xde: {  	[tilespmem:s1+$0x4000] =	vst.msk vm6, v12;
	s1 =	sadd.s32 s5, s1;
	s5 =	spop (v2sf)  }
0xdf: {  	[tilespmem:s4+$0x6010] =	vst.msk vm8, v13;
	s4 =	sadd.s32 s5, s4;
	s5 =	spop (v2sf)  }
0xe0: {  	[tilespmem:s1+$0x4000] =	vst.msk vm9, v14;
	s1 =	sadd.s32 s5, s1;
	s5 =	spop (v2sf)  }
.Ltmp2:
0xe1: {  	[tilespmem:s4+$0x6010] =	vst.msk vm10, v15;
	s4 =	sadd.s32 s5, s4;
	s5 =	spop (v2sf);
	(pc) =	sbr.rel @p0 .LBB2_6-.Ltmp2, $4  }
0xe2: {  	[tilespmem:s1+$0x4000] =	vst.msk vm11, v16;
	s5 =	sadd.s32 s5, s1;
	s1 =	spop (v2sf)  }
0xe3: {  	[tilespmem:s4+$0x6010] =	vst.msk vm13, v18;
	s6 =	spop (v2sf)  }
0xe4: {  	s1 =	sadd.s32 s1, s4;
	[tilespmem:s5+$0x4000] =	vst.msk vm12, v17;
	s4 =	sadd.s32 s6, s5;
	s5 =	spop (v2sf)  }
0xe5: {  	[tilespmem:s1+$0x6010] =	vst.msk vm15, v19;
	s16 =	sadd.s32 s5, s4;
	s5 =	spop (v2sf)  }
0xe6: {  	s1 =	sadd.s32 s5, s1;
	[tilespmem:s4+$0x4000] =	vst.msk vm0, v4  }
0xe7: {  	[tilespmem:s1+$0x6010] =	vst.msk vm1, v5  }
0xe8: {  	v4 =	vld [tilespmem:s15+$0xFFFFFFC0]  }
0xe9: {  	v5 =	vld [tilespmem:s15+$0xFFFFFFD0]  }
0xea: {  	v6 =	vld [tilespmem:s15+$0x1FC0]  }
0xeb: {  	v7 =	vld [tilespmem:s15+$0x1FD0]  }
0xec: {  	v8 =	vld [tilespmem:s15+$0xFFFFFFE0]  }
0xed: {  	v9 =	vld [tilespmem:s15+$0x1FE0];
	vm9 =	vgt.f32 v4, v3  }
0xee: {  	v10 =	vld [tilespmem:s15+$0xFFFFFFF0];
	vm0 =	vgt.f32 v5, v3;
	v11 =	vmpcnt.ones.xlane vm9  }
0xef: {  	v12 =	vld [tilespmem:s15+$0x1FF0];
	vm10 =	vgt.f32 v6, v2;
	v13 =	vmpcnt.ones.xlane vm0  }
0xf0: {  	v14 =	vld [tilespmem:s15+$0x0];
	vm5 =	vgt.f32 v7, v2;
	v54 =	vmpcnt.ones.xlane vm10;
	(v2sf) =	vpush v11, $0x0  }
0xf1: {  	v15 =	vld [tilespmem:s15+$0x2000];
	vm1 =	vgt.f32 v8, v3;
	v16 =	vmpcnt.ones.xlane vm5;
	(v2sf) =	vpush v13, $0x0  }
0xf2: {  	v55 =	vld [tilespmem:s15+$0x10];
	vm2 =	vgt.f32 v9, v2;
	v17 =	vmpcnt.ones.xlane vm1;
	(v2sf) =	vpush v54, $0x0  }
0xf3: {  	v56 =	vld [tilespmem:s15+$0x2010];
	vm3 =	vgt.f32 v10, v3;
	v18 =	vmpcnt.ones.xlane vm2;
	(v2sf) =	vpush v16, $0x0  }
0xf4: {  	v57 =	vld [tilespmem:s15+$0x20];
	vm4 =	vgt.f32 v12, v2;
	v19 =	vmpcnt.ones.xlane vm3;
	(v2sf) =	vpush v17, $0x0  }
0xf5: {  	v58 =	vld [tilespmem:s15+$0x30];
	vm6 =	vgt.f32 v14, v3;
	v20 =	vmpcnt.ones.xlane vm4;
	(v2sf) =	vpush v18, $0x0  }
0xf6: {  	v59 =	vld [tilespmem:s15+$0x2020];
	vm7 =	vgt.f32 v15, v2;
	v21 =	vmpcnt.ones.xlane vm6;
	(v2sf) =	vpush v19, $0x0  }
0xf7: {  	v60 =	vld [tilespmem:s15+$0x2030];
	vm11 =	vgt.f32 v55, v3;
	v22 =	vmpcnt.ones.xlane vm7;
	(v2sf) =	vpush v20, $0x0  }
0xf8: {  	vm12 =	vgt.f32 v56, v2;
	v61 =	vmpcnt.ones.xlane vm11;
	(v2sf) =	vpush v21, $0x0  }
0xf9: {  	vm13 =	vgt.f32 v57, v3;
	v62 =	vmpcnt.ones.xlane vm12;
	(v2sf) =	vpush v22, $0x0  }
0xfa: {  	vm8 =	vgt.f32 v58, v3;
	v3 =	vmpcnt.ones.xlane vm13;
	(v2sf) =	vpush v61, $0x0  }
0xfb: {  	vm15 =	vgt.f32 v59, v2;
	v63 =	vmpcnt.ones.xlane vm8;
	(v2sf) =	vpush v62, $0x0  }
0xfc: {  	vm14 =	vgt.f32 v60, v2;
	v2 =	vmpcnt.ones.xlane vm15;
	(v2sf) =	vpush v3, $0x0  }
0xfd: {  	v3 =	vmpcnt.ones.xlane vm14;
	(v2sf) =	vpush v63, $0x0  }
0xfe: {  	s5 =	spop (v2sf);
	(v2sf) =	vpush v2, $0x0  }
0xff: {  	s7 =	spop (v2sf);
	(v2sf) =	vpush v3, $0x0  }
0x100: {  	s6 =	spop (v2sf)  }
0x101: {  	s14 =	spop (v2sf)  }
0x102: {  	s8 =	spop (v2sf)  }
0x103: {  	s21 =	spop (v2sf)  }
0x104: {  	s22 =	spop (v2sf)  }
0x105: {  	s23 =	spop (v2sf)  }
0x106: {  	s24 =	spop (v2sf)  }
0x107: {  	s1 =	sadd.s32 s5, s1;
	s4 =	sadd.s32 s16, s7;
	s5 =	spop (v2sf)  }
0x108: {  	s6 =	sadd.s32 s6, s4;
	s14 =	sadd.s32 s1, s14;
	s7 =	spop (v2sf)  }
0x109: {  	[tilespmem:s16+$0x4000] =	vst.msk vm9, v4;
	s15 =	sadd.s32 s8, s14;
	s16 =	sadd.s32 s21, s6;
	s9 =	spop (v2sf)  }
0x10a: {  	[tilespmem:s1+$0x6010] =	vst.msk vm10, v6;
	s1 =	sadd.s32 s22, s15;
	s8 =	sadd.s32 s23, s16;
	s23 =	spop (v2sf)  }
0x10b: {  	[tilespmem:s4+$0x4000] =	vst.msk vm0, v5;
	s4 =	sadd.s32 s24, s1;
	s5 =	sadd.s32 s5, s8;
	s24 =	spop (v2sf)  }
0x10c: {  	[tilespmem:s14+$0x6010] =	vst.msk vm5, v7;
	s7 =	sadd.s32 s7, s4;
	s14 =	sadd.s32 s9, s5;
	s21 =	spop (v2sf)  }
0x10d: {  	[tilespmem:s6+$0x4000] =	vst.msk vm1, v8;
	s6 =	sadd.s32 s23, s7;
	s24 =	sadd.s32 s24, s14;
	s9 =	spop (v2sf)  }
0x10e: {  	[tilespmem:s15+$0x6010] =	vst.msk vm2, v9;
	s15 =	sadd.s32 s21, s24;
	s9 =	sadd.s32 s9, s6;
	s23 =	spop (v2sf)  }
0x10f: {  	[tilespmem:s16+$0x4000] =	vst.msk vm3, v10;
	s21 =	ssub.f32 s2, s31;
	s22 =	scvt.s32.f32 s15;
	s16 =	sadd.s32 s23, s9  }
0x110: {  	[tilespmem:s1+$0x6010] =	vst.msk vm4, v12;
	s23 =	scvt.s32.f32 s16  }
0x111: {  	[tilespmem:s8+$0x4000] =	vst.msk vm6, v14;
	s8 =	smul.f32 s22, s21;
	s21 =	ssub.f32 s3, s0  }
0x112: {  	_ = 	snop  }
0x113: {  	p0 =	sgt.f32 s8, $4.999999890e-03;
	s1 =	smul.f32 s23, s21  }
0x114: {  	_ = 	snop  }
0x115: {  	p1 =	sgt.f32 @!p0 s1, $4.999999890e-03  }
0x116: {  	[tilespmem:s4+$0x6010] =	vst.msk vm7, v15  }
0x117: {  	[tilespmem:s5+$0x4000] =	vst.msk vm11, v55;
	p1 =	por p0, p1  }
.Ltmp3:
0x118: {  	[tilespmem:s7+$0x6010] =	vst.msk vm12, v56;
	s8 =	sadd.s32 $0xF, s15;
	s21 =	sadd.s32 $0xF, s16;
	(pc) =	sbr.rel @!p1 .LBB2_11-.Ltmp3, $4  }
0x119: {  	[tilespmem:s14+$0x4000] =	vst.msk vm13, v57;
	s21 =	sshra.s32 s21, $0x4;
	s1 =	sshra.s32 s8, $0x4  }
0x11a: {  	[tilespmem:s6+$0x6010] =	vst.msk vm15, v59;
	p2 =	sgt.s32 s1, s21  }
0x11b: {  	[tilespmem:s24+$0x4000] =	vst.msk vm8, v58;
	s21 =	smov.u32 @p2 s1  }
0x11c: {  	[tilespmem:s9+$0x6010] =	vst.msk vm14, v60;
	p0 =	slt.s32 s21, $0x1  }
.Ltmp4:
0x11d: {  	(pc) =	sbr.rel .LBB2_9-.Ltmp4, $2  }
0x11e: {  	_ =	sdelay $0x2  }
0x11f: {  	v2 =	vmov s15;
	v3 =	vmov s16;
	s24 =	simm.s32 $0x0  }
.LBB2_10:
0x120: {  	v5 =	vimm.f32 $0.0e+00;
	v4 =	vimm.f32 $0.0e+00  }
.LBB2_16:
0x121: {  	(xrf2) =	vadd.scan.msk.f32 $0xffff, v5  }
0x122: {  	(xrf2) =	vadd.scan.msk.f32 $0xffff, v4;
	_ =	sdelay $0x8  }
0x123: {  	v4, _, _ =	vpop (xrf2)  }
0x124: {  	(v2sf) =	vpush v4, $0xF;
	v4, _, _ =	vpop (xrf2)  }
0x125: {  	(v2sf) =	vpush v4, $0xF;
	_ =	sdelay $0xd  }
0x126: {  	s4 =	spop (v2sf)  }
0x127: {  	s4 =	sadd.f32 $-1.000000000e+00, s4;
	s5 =	spop (v2sf)  }
0x128: {  	s5 =	sadd.f32 $-1.000000000e+00, s5  }
0x129: {  	p1 =	sge.f32 s4, $0.0e+00  }
0x12a: {  	p2 =	sge.f32 s5, $0.0e+00  }
0x12b: {  	s31 =	smov.u32 @p1 s1;
	s1 =	smov.u32 @p1 s2  }
0x12c: {  	s0 =	smov.u32 @p2 s14;
	s14 =	smov.u32 @p2 s3;
	s2 =	ssub.f32 s1, s31  }
0x12d: {  	s3 =	ssub.f32 s14, s0  }
0x12e: {  	s2 =	smul.f32 s22, s2  }
0x12f: {  	s3 =	smul.f32 s23, s3;
	_ =	sdelay $0x1  }
0x130: {  	p5 =	sgt.f32 s2, $4.999999890e-03;
	p6 =	sgt.f32 s3, $4.999999890e-03  }
0x131: {  	_ = 	snop  }
0x132: {  	p1 =	sgt.u32 s24, $0x18;
	p2 =	por p5, p6  }
0x133: {  	p2 =	por p1, !p2  }
.Ltmp5:
0x134: {  	_ = 	snop;
	(pc) =	sbr.rel @p2 .LBB2_17-.Ltmp5, $2  }
0x135: {  	_ =	sdelay $0x2  }
0x136: {  	s24 =	sadd.s32 $0x1, s24;
	s2 =	smov.u32 s1;
	s3 =	smov.u32 s14  }
.LBB2_9:
.Ltmp6:
0x137: {  	(pc) =	sbr.rel @p0 .LBB2_10-.Ltmp6, $4  }
0x138: {  	s1 =	sadd.f32 s2, s31  }
0x139: {  	s4 =	sadd.f32 s3, s0  }
0x13a: {  	s1 =	smul.f32 $5.000000000e-01, s1  }
0x13b: {  	s14 =	smul.f32 $5.000000000e-01, s4  }
0x13c: {  	s6 =	simm.s32 $0x6010  }
0x13d: {  	p1 =	sne.s32 s21, $0x1;
	v6 =	vld [tilespmem:s6+$0x0]  }
.Ltmp7:
0x13e: {  	v8 =	vld [tilespmem:s6+$0xFFFFDFF0];
	(pc) =	sbr.rel @!p1 .LBB2_15-.Ltmp7, $3  }
0x13f: {  	_ =	sdelay $0x1  }
0x140: {  	v5 =	vmov s1;
	v7 =	vmov s14  }
0x141: {  	v4 =	vimm.f32 $0.0e+00;
	s4 =	simm.s32 $0x0;
	s5 =	sadd.s32 $0xFFFFFFFF, s21;
	s6 =	simm.s32 $0x6020;
	v9 =	vsub.f32 v6, v7;
	v6 =	vimm.f32 $0.0e+00  }
.LBB2_14:
0x142: {  	v10 =	vld [tilespmem:s6+$0x0];
	p1 =	sne.s32 s5, $0x1;
	s5 =	sadd.s32 $0xFFFFFFFF, s5;
	v11 =	vor.u32 s4, v0;
	v12 =	vsub.f32 v8, v5  }
.Ltmp8:
0x143: {  	v8 =	vld [tilespmem:s6+$0xFFFFDFF0];
	vm0 =	vlt.s32 v11, v2;
	v9 =	vmax.f32 v9, $0.0e+00;
	vm1 =	vlt.s32 v11, v3;
	(pc) =	sbr.rel @p1 .LBB2_14-.Ltmp8, $4  }
0x144: {  	v11 =	vmax.f32 v12, $0.0e+00;
	v9 =	vnsel vm1, $0x0, v9  }
0x145: {  	v11 =	vnsel vm0, $0x0, v11;
	v4 =	vadd.f32 v9, v4  }
0x146: {  	v6 =	vadd.f32 v11, v6  }
0x147: {  	s4 =	sadd.s32 $0x10, s4;
	s6 =	sadd.s32 $0x10, s6;
	v9 =	vsub.f32 v10, v7  }
.LBB2_15:
0x148: {  	v5 =	vsub.f32 v8, v5  }
.Ltmp9:
0x149: {  	v7 =	vor.u32 s4, v0;
	(pc) =	sbr.rel .LBB2_16-.Ltmp9, $4  }
0x14a: {  	vm0 =	vlt.s32 v7, v2;
	v5 =	vmax.f32 v5, $0.0e+00  }
0x14b: {  	v63 =	vmax.f32 v9, $0.0e+00;
	vm1 =	vlt.s32 v7, v3;
	v5 =	vnsel vm0, $0x0, v5  }
0x14c: {  	v7 =	vnsel vm1, $0x0, v63;
	v5 =	vadd.f32 v5, v6  }
0x14d: {  	v4 =	vadd.f32 v7, v4  }
.LBB2_17:
0x14e: {  	s31 =	smov.u32 @p1 s31;
	s0 =	smov.u32 @p1 s0  }
.LBB2_11:
.Ltmp10:
0x14f: {  	(pc) =	sbr.rel @p0 .LBB2_12-.Ltmp10, $1  }
0x150: {  	_ =	sdelay $0x3  }
0x151: {  	s2 =	simm.s32 $0x6010  }
0x152: {  	p0 =	sne.s32 s21, $0x1;
	v11 =	vld [tilespmem:s2+$0x0]  }
.Ltmp11:
0x153: {  	v10 =	vld [tilespmem:s2+$0xFFFFDFF0];
	(pc) =	sbr.rel @!p0 .LBB2_20-.Ltmp11, $4  }
0x154: {  	v3 =	vmov s31;
	v4 =	vmov s15;
	v5 =	vmov s0;
	s0 =	simm.s32 $0x0  }
0x155: {  	v6 =	vmov s16;
	v2 =	vimm.f32 $0.0e+00;
	v7 =	vor.u32 s0, v0  }
0x156: {  	v8 =	vimm.f32 $0.0e+00;
	v9 =	vimm.f32 $0.0e+00;
	vm0 =	vlt.s32 v7, v4  }
0x157: {  	s1 =	sadd.s32 $0xFFFFFFFF, s21;
	s2 =	simm.s32 $0x6020;
	vm2 =	vlt.s32 v7, v6;
	v7 =	vimm.f32 $0.0e+00;
	vm1 =	vgt.f32 v11, v5  }
.LBB2_19:
0x158: {  	v12 =	vld [tilespmem:s2+$0x0];
	p0 =	sne.s32 s1, $0x1;
	s1 =	sadd.s32 $0xFFFFFFFF, s1;
	vm3 =	vgt.f32 v10, v3;
	vm1 =	vmand vm2, vm1;
	v13 =	vmov v10  }
.Ltmp12:
0x159: {  	v10 =	vld [tilespmem:s2+$0xFFFFDFF0];
	vm0 =	vmand vm0, vm3;
	v14 =	vsel vm1, $0x3F800000, v1;
	v11 =	vnsel vm1, $0x0, v11;
	(pc) =	sbr.rel @p0 .LBB2_19-.Ltmp12, $4  }
0x15a: {  	v15 =	vsel vm0, $0x3F800000, v1;
	v13 =	vnsel vm0, $0x0, v13;
	v2 =	vadd.f32 v11, v2  }
0x15b: {  	s0 =	sadd.s32 $0x10, s0;
	v7 =	vadd.f32 v15, v7;
	v8 =	vadd.f32 v13, v8  }
0x15c: {  	v9 =	vadd.f32 v14, v9;
	v13 =	vor.u32 s0, v0  }
0x15d: {  	s2 =	sadd.s32 $0x10, s2;
	vm0 =	vlt.s32 v13, v4;
	vm2 =	vlt.s32 v13, v6;
	vm1 =	vgt.f32 v12, v5;
	v11 =	vmovc v12  }
.LBB2_20:
.Ltmp13:
0x15e: {  	vm3 =	vgt.f32 v10, v3;
	(pc) =	sbr.rel .LBB2_21-.Ltmp13, $4  }
0x15f: {  	vm1 =	vmand vm2, vm1;
	vm0 =	vmand vm0, vm3  }
0x160: {  	v3 =	vsel vm1, $0x3F800000, v1;
	v4 =	vnsel vm1, $0x0, v11;
	v5 =	vsel vm0, $0x3F800000, v1  }
0x161: {  	v6 =	vnsel vm0, $0x0, v10;
	v4 =	vadd.f32 v4, v2;
	v3 =	vadd.f32 v3, v9  }
0x162: {  	v2 =	vadd.f32 v5, v7;
	v5 =	vadd.f32 v6, v8  }
.LBB2_12:
0x163: {  	v2 =	vimm.f32 $0.0e+00  }
0x164: {  	v3 =	vimm.f32 $0.0e+00;
	v5 =	vimm.f32 $0.0e+00;
	v4 =	vimm.f32 $0.0e+00  }
.LBB2_21:
0x165: {  	_ = 	snop  }
0x166: {  	(xrf2) =	vadd.scan.msk.f32 $0xffff, v5  }
0x167: {  	(xrf2) =	vadd.scan.msk.f32 $0xffff, v2  }
0x168: {  	(xrf2) =	vadd.scan.msk.f32 $0xffff, v4;
	_ =	sdelay $0x5  }
0x169: {  	(xrf2) =	vadd.scan.msk.f32 $0xffff, v3;
	_ =	sdelay $0x1  }
0x16a: {  	v2, _, _ =	vpop (xrf2)  }
0x16b: {  	v3, _, _ =	vpop (xrf2)  }
0x16c: {  	(v2sf) =	vpush v2, $0xF;
	v4, _, _ =	vpop (xrf2)  }
0x16d: {  	(v2sf) =	vpush v4, $0xF;
	_ =	sdelay $0x4  }
0x16e: {  	v2 =	vbroadcast v3, $0xF;
	v3, _, _ =	vpop (xrf2)  }
0x16f: {  	v3 =	vbroadcast v3, $0xF  }
0x170: {  	(erf) = vrcp.f32 v2  }
0x171: {  	(erf) = vrcp.f32 v3;
	_ =	sdelay $0x4  }
0x172: {  	s0 =	simm.s32 $0x0  }
0x173: {  	v5 =	vld [tilespmem:s0+$0x0];
	s1 =	spop (v2sf)  }
0x174: {  	v4 =	vld [tilespmem:s0+$0x2070];
	s1 =	sadd.f32 $-1.000000000e+00, s1;
	s2 =	spop (v2sf)  }
0x175: {  	v3 =	vpop (erf);
	s2 =	sadd.f32 $-1.000000000e+00, s2  }
0x176: {  	v7 =	vld [tilespmem:s0+$0x20];
	v2 =	vpop (erf);
	v3 =	vmul.f32 s1, v3  }
0x177: {  	v6 =	vld [tilespmem:s0+$0x10];
	v2 =	vmul.f32 s2, v2  }
0x178: {  	v9 =	vld [tilespmem:s0+$0x40];
	v5 =	vsub.f32 v5, v3  }
0x179: {  	v8 =	vld [tilespmem:s0+$0x30];
	v4 =	vsub.f32 v4, v2  }
0x17a: {  	v11 =	vld [tilespmem:s0+$0x60];
	v5 =	vmax.f32 v5, $0.0e+00  }
0x17b: {  	v10 =	vld [tilespmem:s0+$0x50];
	[tilespmem:s0+$0x8080] =	vst v5;
	v5 =	vsub.f32 v7, v3;
	v4 =	vmax.f32 v4, $0.0e+00  }
0x17c: {  	v12 =	vld [tilespmem:s0+$0x70];
	[tilespmem:s0+$0xA0F0] =	vst v4;
	v4 =	vsub.f32 v6, v3  }
0x17d: {  	v13 =	vld [tilespmem:s0+$0x2000];
	v7 =	vsub.f32 v9, v3;
	v5 =	vmax.f32 v5, $0.0e+00  }
0x17e: {  	v14 =	vld [tilespmem:s0+$0x2010];
	v6 =	vsub.f32 v8, v3;
	[tilespmem:s0+$0x80A0] =	vst v5;
	v4 =	vmax.f32 v4, $0.0e+00  }
0x17f: {  	v9 =	vsub.f32 v11, v3;
	v7 =	vmax.f32 v7, $0.0e+00;
	[tilespmem:s0+$0x8090] =	vst v4;
	v4 =	vld [tilespmem:s0+$0x2020]  }
0x180: {  	v8 =	vsub.f32 v10, v3;
	v5 =	vld [tilespmem:s0+$0x2030];
	[tilespmem:s0+$0x80C0] =	vst v7;
	v6 =	vmax.f32 v6, $0.0e+00  }
0x181: {  	v10 =	vsub.f32 v12, v3;
	v63 =	vmax.f32 v9, $0.0e+00;
	[tilespmem:s0+$0x80B0] =	vst v6;
	v6 =	vld [tilespmem:s0+$0x2040]  }
0x182: {  	v9 =	vsub.f32 v13, v2;
	v7 =	vld [tilespmem:s0+$0x2050];
	[tilespmem:s0+$0x80E0] =	vst v63;
	v8 =	vmax.f32 v8, $0.0e+00  }
0x183: {  	s14 =	simm.s32 $0x400;
	s1 =	simm.s32 $0x80;
	v11 =	vmax.f32 v10, $0.0e+00;
	v10 =	vsub.f32 v14, v2;
	[tilespmem:s0+$0x80D0] =	vst v8;
	v8 =	vld [tilespmem:s0+$0x2060]  }
.LBB2_22:
0x184: {  	p0 =	sne.s32 s14, $0x3E00;
	v12 =	vld [tilespmem:s1+$0x2070];
	v9 =	vmax.f32 v9, $0.0e+00;
	v4 =	vsub.f32 v4, v2;
	[tilespmem:s0+$0x80F0] =	vst v11  }
0x185: {  	v11 =	vld [tilespmem:s1+$0x0];
	v10 =	vmax.f32 v10, $0.0e+00;
	v5 =	vsub.f32 v5, v2;
	[tilespmem:s0+$0xA080] =	vst v9  }
0x186: {  	v9 =	vld [tilespmem:s1+$0x10];
	v4 =	vmax.f32 v4, $0.0e+00;
	v6 =	vsub.f32 v6, v2;
	[tilespmem:s0+$0xA090] =	vst v10  }
0x187: {  	v10 =	vld [tilespmem:s1+$0x20];
	v5 =	vmax.f32 v5, $0.0e+00;
	v7 =	vsub.f32 v7, v2;
	[tilespmem:s0+$0xA0A0] =	vst v4  }
0x188: {  	v4 =	vld [tilespmem:s1+$0x30];
	v6 =	vmax.f32 v6, $0.0e+00;
	v8 =	vsub.f32 v8, v2;
	[tilespmem:s0+$0xA0B0] =	vst v5  }
0x189: {  	v5 =	vld [tilespmem:s1+$0x40];
	v12 =	vsub.f32 v12, v2;
	v7 =	vmax.f32 v7, $0.0e+00;
	[tilespmem:s0+$0xA0C0] =	vst v6  }
0x18a: {  	v6 =	vsub.f32 v11, v3;
	v11 =	vld [tilespmem:s1+$0x50];
	v8 =	vmax.f32 v8, $0.0e+00;
	[tilespmem:s0+$0xA0D0] =	vst v7  }
0x18b: {  	v7 =	vsub.f32 v9, v3;
	v9 =	vld [tilespmem:s1+$0x60];
	v12 =	vmax.f32 v12, $0.0e+00;
	[tilespmem:s0+$0xA0E0] =	vst v8;
	s0 =	smov.u32 s1  }
0x18c: {  	v6 =	vmax.f32 v6, $0.0e+00;
	v8 =	vsub.f32 v10, v3;
	v10 =	vld [tilespmem:s0+$0x70];
	[tilespmem:s0+$0xA0F0] =	vst v12  }
0x18d: {  	v7 =	vmax.f32 v7, $0.0e+00;
	v4 =	vsub.f32 v4, v3;
	v12 =	vld [tilespmem:s0+$0x2000];
	[tilespmem:s0+$0x8080] =	vst v6  }
0x18e: {  	v6 =	vmax.f32 v8, $0.0e+00;
	v5 =	vsub.f32 v5, v3;
	v8 =	vld [tilespmem:s0+$0x2010];
	[tilespmem:s0+$0x8090] =	vst v7  }
.Ltmp14:
0x18f: {  	v7 =	vmax.f32 v4, $0.0e+00;
	v11 =	vsub.f32 v11, v3;
	v4 =	vld [tilespmem:s0+$0x2020];
	[tilespmem:s0+$0x80A0] =	vst v6;
	(pc) =	sbr.rel @p0 .LBB2_22-.Ltmp14, $4  }
0x190: {  	v13 =	vmax.f32 v5, $0.0e+00;
	v9 =	vsub.f32 v9, v3;
	v5 =	vld [tilespmem:s0+$0x2030];
	[tilespmem:s0+$0x80B0] =	vst v7  }
0x191: {  	v11 =	vmax.f32 v11, $0.0e+00;
	v10 =	vsub.f32 v10, v3;
	v6 =	vld [tilespmem:s0+$0x2040];
	[tilespmem:s0+$0x80C0] =	vst v13  }
0x192: {  	v13 =	vmax.f32 v9, $0.0e+00;
	v9 =	vsub.f32 v12, v2;
	v7 =	vld [tilespmem:s0+$0x2050];
	[tilespmem:s0+$0x80D0] =	vst v11  }
0x193: {  	s1 =	sshra.s32 s14, $0x2;
	s14 =	sadd.s32 $0x200, s14;
	v11 =	vmax.f32 v10, $0.0e+00;
	v10 =	vsub.f32 v8, v2;
	v8 =	vld [tilespmem:s0+$0x2060];
	[tilespmem:s0+$0x80E0] =	vst v13  }
0x194: {  	v12 =	vld [tilespmem:s1+$0x2070];
	[tilespmem:s0+$0x80F0] =	vst v11;
	v9 =	vmax.f32 v9, $0.0e+00;
	v4 =	vsub.f32 v4, v2  }
0x195: {  	v11 =	vld [tilespmem:s1+$0x0];
	[tilespmem:s0+$0xA080] =	vst v9;
	v9 =	vmax.f32 v10, $0.0e+00;
	v5 =	vsub.f32 v5, v2  }
0x196: {  	v10 =	vld [tilespmem:s1+$0x10];
	[tilespmem:s0+$0xA090] =	vst v9;
	v4 =	vmax.f32 v4, $0.0e+00  }
0x197: {  	v9 =	vld [tilespmem:s1+$0x20];
	[tilespmem:s0+$0xA0A0] =	vst v4;
	v4 =	vsub.f32 v6, v2;
	v5 =	vmax.f32 v5, $0.0e+00  }
0x198: {  	v6 =	vld [tilespmem:s1+$0x30];
	[tilespmem:s0+$0xA0B0] =	vst v5;
	v5 =	vsub.f32 v7, v2  }
0x199: {  	v4 =	vmax.f32 v4, $0.0e+00  }
0x19a: {  	v7 =	vld [tilespmem:s1+$0x40];
	[tilespmem:s0+$0xA0C0] =	vst v4;
	v4 =	vsub.f32 v8, v2;
	v5 =	vmax.f32 v5, $0.0e+00  }
0x19b: {  	v8 =	vld [tilespmem:s1+$0x50];
	[tilespmem:s0+$0xA0D0] =	vst v5;
	v5 =	vsub.f32 v12, v2  }
0x19c: {  	v4 =	vmax.f32 v4, $0.0e+00  }
0x19d: {  	v60 =	vld [tilespmem:s1+$0x60];
	[tilespmem:s0+$0xA0E0] =	vst v4;
	v4 =	vsub.f32 v11, v3;
	v5 =	vmax.f32 v5, $0.0e+00  }
0x19e: {  	[tilespmem:s1+$0xA0F0] =	vst v5;
	v5 =	vsub.f32 v10, v3  }
0x19f: {  	v4 =	vmax.f32 v4, $0.0e+00  }
0x1a0: {  	v11 =	vld [tilespmem:s1+$0x70];
	[tilespmem:s1+$0x8080] =	vst v4;
	v4 =	vsub.f32 v9, v3;
	v5 =	vmax.f32 v5, $0.0e+00  }
0x1a1: {  	v10 =	vld [tilespmem:s1+$0x2000];
	[tilespmem:s1+$0x8090] =	vst v5;
	v5 =	vsub.f32 v6, v3  }
0x1a2: {  	v9 =	vld [tilespmem:s1+$0x2010];
	v4 =	vmax.f32 v4, $0.0e+00  }
0x1a3: {  	[tilespmem:s1+$0x80A0] =	vst v4;
	v4 =	vsub.f32 v7, v3;
	v5 =	vmax.f32 v5, $0.0e+00;
	v7 =	vld [tilespmem:s1+$0x2030]  }
0x1a4: {  	v6 =	vld [tilespmem:s1+$0x2020];
	[tilespmem:s1+$0x80B0] =	vst v5;
	v5 =	vsub.f32 v8, v3  }
0x1a5: {  	v61 =	vld [tilespmem:s1+$0x2050];
	v11 =	vsub.f32 v11, v3;
	v4 =	vmax.f32 v4, $0.0e+00  }
0x1a6: {  	v8 =	vld [tilespmem:s1+$0x2040];
	[tilespmem:s1+$0x80C0] =	vst v4;
	v4 =	vsub.f32 v60, v3;
	v5 =	vmax.f32 v5, $0.0e+00  }
0x1a7: {  	v11 =	vmax.f32 v11, $0.0e+00;
	v9 =	vsub.f32 v9, v2;
	[tilespmem:s1+$0x80D0] =	vst v5;
	v5 =	vsub.f32 v10, v2  }
0x1a8: {  	[tilespmem:s1+$0x80F0] =	vst v11;
	v10 =	vld [tilespmem:s1+$0x2060];
	v4 =	vmax.f32 v4, $0.0e+00;
	v7 =	vsub.f32 v7, v2  }
0x1a9: {  	[tilespmem:s1+$0x80E0] =	vst v4;
	v4 =	vmax.f32 v5, $0.0e+00;
	v5 =	vsub.f32 v6, v2;
	v6 =	vmax.f32 v9, $0.0e+00  }
0x1aa: {  	[tilespmem:s1+$0xA090] =	vst v6;
	v6 =	vmax.f32 v7, $0.0e+00  }
0x1ab: {  	[tilespmem:s1+$0xA080] =	vst v4;
	v7 =	vsub.f32 v61, v2;
	v4 =	vmax.f32 v5, $0.0e+00;
	v5 =	vsub.f32 v8, v2  }
0x1ac: {  	[tilespmem:s1+$0xA0B0] =	vst v6  }
0x1ad: {  	[tilespmem:s1+$0xA0A0] =	vst v4;
	v6 =	vmax.f32 v7, $0.0e+00;
	v4 =	vmax.f32 v5, $0.0e+00;
	v5 =	vsub.f32 v10, v2  }
0x1ae: {  	[tilespmem:s1+$0xA0D0] =	vst v6  }
0x1af: {  	[tilespmem:s1+$0xA0C0] =	vst v4;
	v4 =	vmax.f32 v5, $0.0e+00  }
0x1b0: {  	s22 =	rddreg [dreg:$0x7];
	s23 =	simm.s32 $0x8080;
	[tilespmem:s1+$0xA0E0] =	vst v4  }
0x1b1: {  	[hbm4b:s22+s12] =	stream.strided.scatter [tilespmem:s23], [sflag:$0x5], $0x1000, s13, s12, $0x38;
	[tilespmem:$0xC080] =	vst v63  }
0x1b2: {  	s24 =	rddreg [dreg:$0x8];
	s31 =	simm.s32 $0xA080;
	s0 =	simm.s32 $0x0  }
0x1b3: {  	[hbm4b:s24+s12] =	stream.strided.scatter [tilespmem:s31], [sflag:$0x6], $0x1000, s13, s12, $0x38;
	[tilespmem:$0xC080] =	vst v63  }
0x1b4: {  	v4 =	vld [tilespmem:s0+$0x3070]  }
0x1b5: {  	v5 =	vld [tilespmem:s0+$0x1000];
	_ =	sdelay $0x1  }
0x1b6: {  	v6 =	vld [tilespmem:s0+$0x1010]  }
0x1b7: {  	v7 =	vld [tilespmem:s0+$0x1020]  }
0x1b8: {  	v8 =	vld [tilespmem:s0+$0x1030];
	v4 =	vsub.f32 v4, v2  }
0x1b9: {  	v9 =	vld [tilespmem:s0+$0x1040];
	v5 =	vsub.f32 v5, v3  }
0x1ba: {  	v10 =	vld [tilespmem:s0+$0x1050];
	v4 =	vmax.f32 v4, $0.0e+00  }
0x1bb: {  	v11 =	vld [tilespmem:s0+$0x1060];
	v5 =	vmax.f32 v5, $0.0e+00;
	[tilespmem:s0+$0xB0F0] =	vst v4;
	v4 =	vsub.f32 v6, v3  }
0x1bc: {  	v62 =	vld [tilespmem:s0+$0x1070];
	[tilespmem:s0+$0x9080] =	vst v5;
	v5 =	vsub.f32 v7, v3  }
0x1bd: {  	v13 =	vld [tilespmem:s0+$0x3000];
	v6 =	vsub.f32 v8, v3;
	v4 =	vmax.f32 v4, $0.0e+00  }
0x1be: {  	v14 =	vld [tilespmem:s0+$0x3010];
	v7 =	vsub.f32 v9, v3;
	v5 =	vmax.f32 v5, $0.0e+00;
	[tilespmem:s0+$0x9090] =	vst v4  }
0x1bf: {  	v8 =	vsub.f32 v10, v3;
	v6 =	vmax.f32 v6, $0.0e+00;
	v4 =	vld [tilespmem:s0+$0x3020];
	[tilespmem:s0+$0x90A0] =	vst v5  }
0x1c0: {  	v9 =	vsub.f32 v11, v3;
	v7 =	vmax.f32 v7, $0.0e+00;
	v5 =	vld [tilespmem:s0+$0x3030];
	[tilespmem:s0+$0x90B0] =	vst v6  }
0x1c1: {  	v10 =	vsub.f32 v62, v3;
	v8 =	vmax.f32 v8, $0.0e+00;
	v6 =	vld [tilespmem:s0+$0x3040];
	[tilespmem:s0+$0x90C0] =	vst v7  }
0x1c2: {  	v63 =	vmax.f32 v9, $0.0e+00;
	v9 =	vsub.f32 v13, v2;
	v7 =	vld [tilespmem:s0+$0x3050];
	[tilespmem:s0+$0x90D0] =	vst v8  }
0x1c3: {  	s14 =	simm.s32 $0x400;
	s1 =	simm.s32 $0x80;
	v11 =	vmax.f32 v10, $0.0e+00;
	v10 =	vsub.f32 v14, v2;
	v8 =	vld [tilespmem:s0+$0x3060];
	[tilespmem:s0+$0x90E0] =	vst v63  }
.LBB2_24:
0x1c4: {  	p0 =	sne.s32 s14, $0x3E00;
	v12 =	vld [tilespmem:s1+$0x3070];
	v9 =	vmax.f32 v9, $0.0e+00;
	v4 =	vsub.f32 v4, v2;
	[tilespmem:s0+$0x90F0] =	vst v11  }
0x1c5: {  	v11 =	vld [tilespmem:s1+$0x1000];
	v10 =	vmax.f32 v10, $0.0e+00;
	v5 =	vsub.f32 v5, v2;
	[tilespmem:s0+$0xB080] =	vst v9  }
0x1c6: {  	v9 =	vld [tilespmem:s1+$0x1010];
	v4 =	vmax.f32 v4, $0.0e+00;
	v6 =	vsub.f32 v6, v2;
	[tilespmem:s0+$0xB090] =	vst v10  }
0x1c7: {  	v10 =	vld [tilespmem:s1+$0x1020];
	v5 =	vmax.f32 v5, $0.0e+00;
	v7 =	vsub.f32 v7, v2;
	[tilespmem:s0+$0xB0A0] =	vst v4  }
0x1c8: {  	v4 =	vld [tilespmem:s1+$0x1030];
	v6 =	vmax.f32 v6, $0.0e+00;
	v8 =	vsub.f32 v8, v2;
	[tilespmem:s0+$0xB0B0] =	vst v5  }
0x1c9: {  	v5 =	vld [tilespmem:s1+$0x1040];
	v12 =	vsub.f32 v12, v2;
	v7 =	vmax.f32 v7, $0.0e+00;
	[tilespmem:s0+$0xB0C0] =	vst v6  }
0x1ca: {  	v6 =	vsub.f32 v11, v3;
	v11 =	vld [tilespmem:s1+$0x1050];
	v8 =	vmax.f32 v8, $0.0e+00;
	[tilespmem:s0+$0xB0D0] =	vst v7  }
0x1cb: {  	v7 =	vsub.f32 v9, v3;
	v9 =	vld [tilespmem:s1+$0x1060];
	v12 =	vmax.f32 v12, $0.0e+00;
	[tilespmem:s0+$0xB0E0] =	vst v8;
	s0 =	smov.u32 s1  }
0x1cc: {  	v6 =	vmax.f32 v6, $0.0e+00;
	v8 =	vsub.f32 v10, v3;
	v10 =	vld [tilespmem:s0+$0x1070];
	[tilespmem:s0+$0xB0F0] =	vst v12  }
0x1cd: {  	v7 =	vmax.f32 v7, $0.0e+00;
	v4 =	vsub.f32 v4, v3;
	v12 =	vld [tilespmem:s0+$0x3000];
	[tilespmem:s0+$0x9080] =	vst v6  }
0x1ce: {  	v6 =	vmax.f32 v8, $0.0e+00;
	v5 =	vsub.f32 v5, v3;
	v8 =	vld [tilespmem:s0+$0x3010];
	[tilespmem:s0+$0x9090] =	vst v7  }
.Ltmp15:
0x1cf: {  	v7 =	vmax.f32 v4, $0.0e+00;
	v11 =	vsub.f32 v11, v3;
	v4 =	vld [tilespmem:s0+$0x3020];
	[tilespmem:s0+$0x90A0] =	vst v6;
	(pc) =	sbr.rel @p0 .LBB2_24-.Ltmp15, $4  }
0x1d0: {  	v13 =	vmax.f32 v5, $0.0e+00;
	v9 =	vsub.f32 v9, v3;
	v5 =	vld [tilespmem:s0+$0x3030];
	[tilespmem:s0+$0x90B0] =	vst v7  }
0x1d1: {  	v11 =	vmax.f32 v11, $0.0e+00;
	v10 =	vsub.f32 v10, v3;
	v6 =	vld [tilespmem:s0+$0x3040];
	[tilespmem:s0+$0x90C0] =	vst v13  }
0x1d2: {  	v13 =	vmax.f32 v9, $0.0e+00;
	v9 =	vsub.f32 v12, v2;
	v7 =	vld [tilespmem:s0+$0x3050];
	[tilespmem:s0+$0x90D0] =	vst v11  }
0x1d3: {  	s1 =	sshra.s32 s14, $0x2;
	s14 =	sadd.s32 $0x200, s14;
	v11 =	vmax.f32 v10, $0.0e+00;
	v10 =	vsub.f32 v8, v2;
	v8 =	vld [tilespmem:s0+$0x3060];
	[tilespmem:s0+$0x90E0] =	vst v13  }
0x1d4: {  	v12 =	vld [tilespmem:s1+$0x3070];
	[tilespmem:s0+$0x90F0] =	vst v11;
	v9 =	vmax.f32 v9, $0.0e+00;
	v4 =	vsub.f32 v4, v2  }
0x1d5: {  	v11 =	vld [tilespmem:s1+$0x1000];
	[tilespmem:s0+$0xB080] =	vst v9;
	v31 =	vmax.f32 v10, $0.0e+00;
	v5 =	vsub.f32 v5, v2  }
0x1d6: {  	v32 =	vld [tilespmem:s1+$0x1010];
	[tilespmem:s0+$0xB090] =	vst v31;
	v4 =	vmax.f32 v4, $0.0e+00;
	v33 =	vsub.f32 v6, v2  }
0x1d7: {  	v9 =	vld [tilespmem:s1+$0x1020];
	[tilespmem:s0+$0xB0A0] =	vst v4;
	v5 =	vmax.f32 v5, $0.0e+00;
	v35 =	vsub.f32 v7, v2  }
0x1d8: {  	v34 =	vld [tilespmem:s1+$0x1030];
	[tilespmem:s0+$0xB0B0] =	vst v5;
	v4 =	vmax.f32 v33, $0.0e+00;
	v37 =	vsub.f32 v8, v2  }
0x1d9: {  	v36 =	vld [tilespmem:s1+$0x1040];
	[tilespmem:s0+$0xB0C0] =	vst v4;
	v5 =	vmax.f32 v35, $0.0e+00  }
0x1da: {  	v38 =	vld [tilespmem:s1+$0x1050];
	[tilespmem:s0+$0xB0D0] =	vst v5;
	v4 =	vmax.f32 v37, $0.0e+00  }
0x1db: {  	v40 =	vld [tilespmem:s1+$0x1060];
	[tilespmem:s0+$0xB0E0] =	vst v4  }
0x1dc: {  	v39 =	vsub.f32 v12, v2;
	v42 =	vld [tilespmem:s1+$0x1070]  }
0x1dd: {  	v41 =	vsub.f32 v11, v3;
	v44 =	vld [tilespmem:s1+$0x3000]  }
0x1de: {  	v5 =	vmax.f32 v39, $0.0e+00;
	v43 =	vsub.f32 v32, v3;
	v46 =	vld [tilespmem:s1+$0x3010]  }
0x1df: {  	[tilespmem:s1+$0xB0F0] =	vst v5;
	v4 =	vmax.f32 v41, $0.0e+00;
	v45 =	vsub.f32 v9, v3;
	v48 =	vld [tilespmem:s1+$0x3020]  }
0x1e0: {  	v50 =	vld [tilespmem:s1+$0x3030];
	[tilespmem:s1+$0x9080] =	vst v4;
	v5 =	vmax.f32 v43, $0.0e+00;
	v47 =	vsub.f32 v34, v3  }
0x1e1: {  	v52 =	vld [tilespmem:s1+$0x3040];
	[tilespmem:s1+$0x9090] =	vst v5;
	v4 =	vmax.f32 v45, $0.0e+00;
	v49 =	vsub.f32 v36, v3  }
0x1e2: {  	v54 =	vld [tilespmem:s1+$0x3050];
	[tilespmem:s1+$0x90A0] =	vst v4;
	v5 =	vmax.f32 v47, $0.0e+00;
	v51 =	vsub.f32 v38, v3  }
0x1e3: {  	v56 =	vld [tilespmem:s1+$0x3060];
	[tilespmem:s1+$0x90B0] =	vst v5;
	v4 =	vmax.f32 v49, $0.0e+00;
	v53 =	vsub.f32 v40, v3  }
0x1e4: {  	[tilespmem:s1+$0x90C0] =	vst v4;
	v5 =	vmax.f32 v51, $0.0e+00;
	v3 =	vsub.f32 v42, v3  }
0x1e5: {  	v55 =	vsub.f32 v44, v2;
	[tilespmem:s1+$0x90D0] =	vst v5;
	v4 =	vmax.f32 v53, $0.0e+00  }
0x1e6: {  	v9 =	vsub.f32 v46, v2;
	v58 =	vsub.f32 v48, v2;
	v3 =	vmax.f32 v3, $0.0e+00;
	[tilespmem:s1+$0x90E0] =	vst v4  }
0x1e7: {  	v59 =	vsub.f32 v50, v2;
	v61 =	vsub.f32 v52, v2;
	v57 =	vmax.f32 v55, $0.0e+00;
	[tilespmem:s1+$0x90F0] =	vst v3  }
0x1e8: {  	v62 =	vsub.f32 v54, v2;
	v2 =	vsub.f32 v56, v2;
	v60 =	vmax.f32 v58, $0.0e+00;
	[tilespmem:s1+$0xB080] =	vst v57  }
0x1e9: {  	v63 =	vmax.f32 v61, $0.0e+00;
	[tilespmem:s1+$0xB0A0] =	vst v60  }
0x1ea: {  	v2 =	vmax.f32 v2, $0.0e+00;
	[tilespmem:s1+$0xB0C0] =	vst v63  }
0x1eb: {  	v3 =	vmax.f32 v9, $0.0e+00;
	[tilespmem:s1+$0xB0E0] =	vst v2  }
0x1ec: {  	[tilespmem:s1+$0xB090] =	vst v3;
	v3 =	vmax.f32 v59, $0.0e+00  }
0x1ed: {  	[tilespmem:s1+$0xB0B0] =	vst v3;
	v3 =	vmax.f32 v62, $0.0e+00  }
0x1ee: {  	s23 =	rddreg [dreg:$0x9];
	s24 =	simm.s32 $0x9080;
	[tilespmem:s1+$0xB0D0] =	vst v3  }
0x1ef: {  	[hbm4b:s23+s12] =	stream.strided.scatter [tilespmem:s24], [sflag:$0x7], $0x1000, s13, s12, $0x38;
	[tilespmem:$0xC080] =	vst v63  }
0x1f0: {  	s31 =	simm.s32 $0xB080  }
0x1f1: {  	[hbm4b:s10+s12] =	stream.strided.scatter [tilespmem:s31], [sflag:$0x8], $0x1000, s13, s12, $0x38;
	[tilespmem:$0xC080] =	vst v63  }
0x1f2: {  	_ =	swait.ge [sflag:s25], $0x1000  }
0x1f3: {  	[sflag:s25] =	ssyncset.done $0x0  }
0x1f4: {  	[sflag:s25] =	ssyncadd.s32 $0xFFFFF000  }
0x1f5: {  	_ =	swait.ge [sflag:s26], $0x1000  }
0x1f6: {  	[sflag:s26] =	ssyncset.done $0x0  }
0x1f7: {  	s30 =	sadd.s32 $0x1, s30;
	[sflag:s26] =	ssyncadd.s32 $0xFFFFF000  }
0x1f8: {  	p0 =	sne.s32 s30, s11;
	_ =	swait.ge [sflag:s28], $0x1000  }
.Ltmp16:
0x1f9: {  	[sflag:s28] =	ssyncset.done $0x0;
	(pc) =	sbr.rel @p0 .LBB2_1-.Ltmp16, $4  }
0x1fa: {  	[sflag:s28] =	ssyncadd.s32 $0xFFFFF000  }
0x1fb: {  	_ =	swait.ge [sflag:s29], $0x1000  }
0x1fc: {  	[sflag:s29] =	ssyncset.done $0x0  }
0x1fd: {  	[sflag:s29] =	ssyncadd.s32 $0xFFFFF000  }
0x1fe: {  	_ =	sfence.sel $0x180000  }
0x1ff: {  	[bflag:$0x0] =	sbarrier.arrive $0xFFFF  }
0x200: {  	_ =	strace $0x90000047  }
0x201: {  	s0 =	stileid.u32;
	[bflag:$0x2] =	sbarrier.arrive $0xFFFF  }
0x202: {  	p0 =	sne.s32 s0, $0x0;
	s0 =	rddreg [dreg:$0x2]  }
0x203: {  	s0 =	sadd.s32 @!p0 $0x100000, s0  }
0x204: {  	[sflag:s0] =	ssyncadd.tile.s32 @!p0 $0x1;
	_ =	shalt  }
.Lfunc_end2:
_tile_overlayer_lowered:
.L_overlay_start_2:
0x205: {  	(tag) =	ssettag $0x2  }
0x206: {  	s0 =	rddreg [dreg:$0x0];
	s2 =	stileid.u32  }
0x207: {  	s1 =	rddreg [dreg:$0x1];
	p0 =	sne.s32 s2, $0x0  }
0x208: {  	s3 =	rddreg [dreg:$0x2];
	[bflag:$0x3] =	sbarrier.arrive $0xFFFF;
	s2 =	simm.s32 @!p0 $0x1C09  }
0x209: {  	[timem:s3], [sflag:s2] =	dma.local @!p0 [hbm:s0], s1  }
0x20a: {  	s0 =	simm.s32 @!p0 $0x9  }
0x20b: {  	_ =	swait.ge @!p0 [sflag:s0], s1  }
0x20c: {  	s1 =	ssub.s32 @!p0 $0x0, s1;
	[sflag:s0] =	ssyncset.done @!p0 $0x0  }
0x20d: {  	[sflag:s0] =	ssyncadd.s32 @!p0 s1  }
0x20e: {  	[bflag:$0x3] =	sbarrier.arrive $0xFFFF  }
0x20f: {  	_ =	shalt  }

</sc_bundles>
